<compile_context>
chip_gen: v7x
topology: tpu7x:2x2x1
jax: 0.10.2.dev20260603
libtpu: 0.0.44.dev20260713+nightly
codegen_flags: <defaults>
</compile_context>

<pallas_src>
import functools

import jax
import jax.numpy as jnp
from jax import lax
from jax.experimental import pallas as pl
from jax.experimental.pallas import tpu as pltpu
from jax.experimental.pallas import tpu_sc as plsc
_C = 128
_NBUF = 5
_AHEAD = 3


def _make_gather(N, V, D):
    info = plsc.get_sparse_core_info()
    NC, NS = info.num_cores, info.num_subcores
    NW = NC * NS
    per_w = N // NW
    n_chunks = per_w // _C
    n_groups = n_chunks // _NBUF
    assert n_chunks % _NBUF == 0 and per_w % _C == 0 and N % NW == 0
    mesh = plsc.VectorSubcoreMesh(core_axis_name="c", subcore_axis_name="s")

    @functools.partial(
        pl.kernel,
        mesh=mesh,
        out_type=jax.ShapeDtypeStruct((N, D), jnp.float32),
        scratch_types=[
            pltpu.VMEM((n_chunks, _C), jnp.int32),
            pltpu.VMEM((_NBUF, _C, D), jnp.float32),
            pltpu.SemaphoreType.DMA((_NBUF,)),
            pltpu.SemaphoreType.DMA((_NBUF,)),
        ],
        compiler_params=pltpu.CompilerParams(use_tc_tiling_on_sc=False),
    )
    def gather_kernel(table_hbm, idx_hbm, out_hbm, idx_v, rows_v, gsem, osem):
        wid = lax.axis_index("s") * NC + lax.axis_index("c")
        chunk0 = wid * n_chunks

        pltpu.sync_copy(idx_hbm.at[pl.ds(chunk0, n_chunks)], idx_v)

        def issue_gather(local_j, buf):
            pltpu.async_copy(
                table_hbm.at[idx_v.at[local_j]], rows_v.at[buf], gsem.at[buf]
            )

        def issue_out(local_j, buf):
            pltpu.async_copy(
                rows_v.at[buf, :, pl.ds(0, D // 2)],
                out_hbm.at[pl.ds((chunk0 + local_j) * _C, _C), pl.ds(0, D // 2)],
                osem.at[buf],
            )

        for p in range(_AHEAD):
            issue_gather(p, p)

        def group_body(g, carry):
            j0 = g * _NBUF
            for p in range(_NBUF):
                j = j0 + p
                pltpu.make_async_copy(
                    table_hbm.at[idx_v.at[j]], rows_v.at[p], gsem.at[p]
                ).wait()
                issue_out(j, p)
                q = (p + _AHEAD) % _NBUF
                jn = j + _AHEAD

                @pl.when(j >= _NBUF - _AHEAD)
                def _():
                    pltpu.make_async_copy(
                        rows_v.at[q, :, pl.ds(0, D // 2)],
                        out_hbm.at[
                            pl.ds((chunk0 + j - (_NBUF - _AHEAD)) * _C, _C),
                            pl.ds(0, D // 2),
                        ],
                        osem.at[q],
                    ).wait()

                @pl.when(jn < n_chunks)
                def _():
                    issue_gather(jn, q)

            return carry

        lax.fori_loop(0, n_groups, group_body, 0)

        for p in range(_NBUF - _AHEAD):
            j = n_chunks - (_NBUF - _AHEAD) + p
            pltpu.make_async_copy(
                rows_v.at[j % _NBUF, :, pl.ds(0, D // 2)],
                out_hbm.at[pl.ds((chunk0 + j) * _C, _C), pl.ds(0, D // 2)],
                osem.at[j % _NBUF],
            ).wait()

    return gather_kernel


def kernel(x, table):
    B, S = x.shape
    V, D = table.shape
    N = B * S
    table_p = jnp.pad(table, ((0, 0), (0, 128 - D)))
    flat_idx = x.reshape(N // _C, _C).astype(jnp.int32)
    out = _make_gather(N, V, 128)(table_p, flat_idx)
    return out[:, :D].reshape(B, S, D)

# --- scband reference (transcript-rebuilt; emitter-appended) ---
"""Pipeline reference for scband-transformer-model-5927054868514 (READ-ONLY COPY).

The authoritative reference and input builder live on the scoring server;
editing this copy changes nothing except your own understanding.
"""

import jax, jax.numpy as jnp
import numpy as np

VOCAB = 1000000
EMBED_DIM = 64
BATCH = 4096
SEQ = 200

def setup_inputs(seed: int = 0) -> dict:
    key = jax.random.key(seed)
    k_idx, k_tab = jax.random.split(key)
    x = jax.random.randint(k_idx, (BATCH, SEQ), 0, VOCAB, dtype=jnp.int64 if jax.config.jax_enable_x64 else jnp.int32)
    table = jax.random.normal(k_tab, (VOCAB, EMBED_DIM), dtype=jnp.float32)
    return {"x": x, "table": table}

def reference(x, table):
    # nn.Embedding forward: gather rows of the embedding table
    return jnp.take(table, x, axis=0)

if __name__ == "__main__":
    import jax
    _d = setup_inputs()
    print(jax.jit(kernel)(*tuple(_d.values())))

</pallas_src>

<mosaic_0001>
#map = affine_map<(d0, d1) -> (0, 0)>
module attributes {stable_mosaic.version = 14 : i64} {
  func.func @gather_kernel(%arg0: i32, %arg1: i32, %arg2: memref<1000000x128xf32, #tpu.memory_space<hbm>>, %arg3: memref<6400x128xi32, #tpu.memory_space<hbm>>, %arg4: memref<819200x128xf32, #tpu.memory_space<hbm>>, %arg5: memref<200x128xi32, #tpu.memory_space<vmem>>, %arg6: memref<5x128x128xf32, #tpu.memory_space<vmem>>, %arg7: memref<5x!tpu.dma_semaphore, #tpu.memory_space<semaphore_mem>>, %arg8: memref<5x!tpu.dma_semaphore, #tpu.memory_space<semaphore_mem>>) attributes {dimension_semantics = [#tpu.dimension_semantics<core_parallel>, #tpu.dimension_semantics<subcore_parallel>], iteration_bounds = array<i64: 2, 16>, scalar_prefetch = 0 : i64, scratch_operands = 4 : i64, tpu.core_type = #tpu.core_type<sc_vector_subcore>, window_params = [{transform_indices = #map}, {transform_indices = #map}, {transform_indices = #map}]} {
    %mul3A = arith.constant 2 : i32
    %mul3A_0 = arith.muli %arg1, %mul3A : i32
    %add3A = arith.addi %mul3A_0, %arg0 : i32
    %mul3A_1 = arith.constant 200 : i32
    %mul3A_2 = arith.muli %add3A, %mul3A_1 : i32
    "tpu.region"() ({
      %run_scoped3A = tpu.sem_alloc : memref<!tpu.dma_semaphore, #tpu.memory_space<semaphore_mem>>
      %dma_start3A_91 = arith.constant 0 : i32
      %dma_start3A_92 = tpu.memref_slice %arg3[%mul3A_2, %dma_start3A_91] : memref<6400x128xi32, #tpu.memory_space<hbm>> -> memref<200x128xi32, #tpu.memory_space<hbm>>
      %dma_start3A_93 = arith.constant 0 : i32
      %dma_start3A_94 = tpu.memref_slice %arg3[%mul3A_2, %dma_start3A_93] : memref<6400x128xi32, #tpu.memory_space<hbm>> -> memref<200x128xi32, #tpu.memory_space<hbm>>
      tpu.enqueue_dma source(%dma_start3A_94 : memref<200x128xi32, #tpu.memory_space<hbm>>) target(%arg5 : memref<200x128xi32, #tpu.memory_space<vmem>>) target_semaphore(%run_scoped3A : memref<!tpu.dma_semaphore, #tpu.memory_space<semaphore_mem>>)
      %dma_wait3A_95 = arith.constant 0 : i32
      %dma_wait3A_96 = tpu.memref_slice %arg3[%mul3A_2, %dma_wait3A_95] : memref<6400x128xi32, #tpu.memory_space<hbm>> -> memref<200x128xi32, #tpu.memory_space<hbm>>
      %dma_wait3A_97 = arith.constant 0 : i32
      %dma_wait3A_98 = tpu.memref_slice %arg3[%mul3A_2, %dma_wait3A_97] : memref<6400x128xi32, #tpu.memory_space<hbm>> -> memref<200x128xi32, #tpu.memory_space<hbm>>
      tpu.wait_dma2 semaphore(%run_scoped3A : memref<!tpu.dma_semaphore, #tpu.memory_space<semaphore_mem>>) src(%dma_wait3A_98 : memref<200x128xi32, #tpu.memory_space<hbm>>) dst(%arg5 : memref<200x128xi32, #tpu.memory_space<vmem>>)
      tpu.yield
    }) : () -> ()
    %dma_start3A = arith.constant 0 : i32
    %dma_start3A_3 = arith.constant 0 : i32
    %dma_start3A_4 = arith.constant 0 : i32
    %dma_start3A_5 = arith.constant 0 : i32
    %dma_start3A_6 = arith.constant 0 : i32
    %dma_start3A_7 = tpu.memref_slice %arg6[%dma_start3A_3, %dma_start3A_5, %dma_start3A_6] : memref<5x128x128xf32, #tpu.memory_space<vmem>> -> memref<1x128x128xf32, #tpu.memory_space<vmem>>
    %dma_start3A_8 = tpu.memref_squeeze %dma_start3A_7 : memref<1x128x128xf32, #tpu.memory_space<vmem>> -> memref<128x128xf32, #tpu.memory_space<vmem>>
    %dma_start3A_9 = arith.constant 0 : i32
    %dma_start3A_10 = tpu.memref_slice %arg5[%dma_start3A, %dma_start3A_9] : memref<200x128xi32, #tpu.memory_space<vmem>> -> memref<1x128xi32, #tpu.memory_space<vmem>>
    %dma_start3A_11 = tpu.memref_squeeze %dma_start3A_10 : memref<1x128xi32, #tpu.memory_space<vmem>> -> memref<128xi32, #tpu.memory_space<vmem>>
    %dma_start3A_12 = arith.constant 0 : i32
    %dma_start3A_13 = arith.constant 0 : i32
    %dma_start3A_14 = tpu.memref_slice %arg2[%dma_start3A_12, %dma_start3A_13] : memref<1000000x128xf32, #tpu.memory_space<hbm>> -> memref<1000000x128xf32, #tpu.memory_space<hbm>>
    %dma_start3A_15 = tpu.memref_slice %arg7[%dma_start3A_4] : memref<5x!tpu.dma_semaphore, #tpu.memory_space<semaphore_mem>> -> memref<1x!tpu.dma_semaphore, #tpu.memory_space<semaphore_mem>>
    %dma_start3A_16 = tpu.memref_squeeze %dma_start3A_15 : memref<1x!tpu.dma_semaphore, #tpu.memory_space<semaphore_mem>> -> memref<!tpu.dma_semaphore, #tpu.memory_space<semaphore_mem>>
    tpu.enqueue_indirect_dma source(%dma_start3A_14 : memref<1000000x128xf32, #tpu.memory_space<hbm>>) target(%dma_start3A_8 : memref<128x128xf32, #tpu.memory_space<vmem>>) offsets(%dma_start3A_11 : memref<128xi32, #tpu.memory_space<vmem>>) semaphore(%dma_start3A_16 : memref<!tpu.dma_semaphore, #tpu.memory_space<semaphore_mem>>)
    %dma_start3A_17 = arith.constant 1 : i32
    %dma_start3A_18 = arith.constant 1 : i32
    %dma_start3A_19 = arith.constant 1 : i32
    %dma_start3A_20 = arith.constant 0 : i32
    %dma_start3A_21 = arith.constant 0 : i32
    %dma_start3A_22 = tpu.memref_slice %arg6[%dma_start3A_18, %dma_start3A_20, %dma_start3A_21] : memref<5x128x128xf32, #tpu.memory_space<vmem>> -> memref<1x128x128xf32, #tpu.memory_space<vmem>>
    %dma_start3A_23 = tpu.memref_squeeze %dma_start3A_22 : memref<1x128x128xf32, #tpu.memory_space<vmem>> -> memref<128x128xf32, #tpu.memory_space<vmem>>
    %dma_start3A_24 = arith.constant 0 : i32
    %dma_start3A_25 = tpu.memref_slice %arg5[%dma_start3A_17, %dma_start3A_24] : memref<200x128xi32, #tpu.memory_space<vmem>> -> memref<1x128xi32, #tpu.memory_space<vmem>>
    %dma_start3A_26 = tpu.memref_squeeze %dma_start3A_25 : memref<1x128xi32, #tpu.memory_space<vmem>> -> memref<128xi32, #tpu.memory_space<vmem>>
    %dma_start3A_27 = arith.constant 0 : i32
    %dma_start3A_28 = arith.constant 0 : i32
    %dma_start3A_29 = tpu.memref_slice %arg2[%dma_start3A_27, %dma_start3A_28] : memref<1000000x128xf32, #tpu.memory_space<hbm>> -> memref<1000000x128xf32, #tpu.memory_space<hbm>>
    %dma_start3A_30 = tpu.memref_slice %arg7[%dma_start3A_19] : memref<5x!tpu.dma_semaphore, #tpu.memory_space<semaphore_mem>> -> memref<1x!tpu.dma_semaphore, #tpu.memory_space<semaphore_mem>>
    %dma_start3A_31 = tpu.memref_squeeze %dma_start3A_30 : memref<1x!tpu.dma_semaphore, #tpu.memory_space<semaphore_mem>> -> memref<!tpu.dma_semaphore, #tpu.memory_space<semaphore_mem>>
    tpu.enqueue_indirect_dma source(%dma_start3A_29 : memref<1000000x128xf32, #tpu.memory_space<hbm>>) target(%dma_start3A_23 : memref<128x128xf32, #tpu.memory_space<vmem>>) offsets(%dma_start3A_26 : memref<128xi32, #tpu.memory_space<vmem>>) semaphore(%dma_start3A_31 : memref<!tpu.dma_semaphore, #tpu.memory_space<semaphore_mem>>)
    %dma_start3A_32 = arith.constant 2 : i32
    %dma_start3A_33 = arith.constant 2 : i32
    %dma_start3A_34 = arith.constant 2 : i32
    %dma_start3A_35 = arith.constant 0 : i32
    %dma_start3A_36 = arith.constant 0 : i32
    %dma_start3A_37 = tpu.memref_slice %arg6[%dma_start3A_33, %dma_start3A_35, %dma_start3A_36] : memref<5x128x128xf32, #tpu.memory_space<vmem>> -> memref<1x128x128xf32, #tpu.memory_space<vmem>>
    %dma_start3A_38 = tpu.memref_squeeze %dma_start3A_37 : memref<1x128x128xf32, #tpu.memory_space<vmem>> -> memref<128x128xf32, #tpu.memory_space<vmem>>
    %dma_start3A_39 = arith.constant 0 : i32
    %dma_start3A_40 = tpu.memref_slice %arg5[%dma_start3A_32, %dma_start3A_39] : memref<200x128xi32, #tpu.memory_space<vmem>> -> memref<1x128xi32, #tpu.memory_space<vmem>>
    %dma_start3A_41 = tpu.memref_squeeze %dma_start3A_40 : memref<1x128xi32, #tpu.memory_space<vmem>> -> memref<128xi32, #tpu.memory_space<vmem>>
    %dma_start3A_42 = arith.constant 0 : i32
    %dma_start3A_43 = arith.constant 0 : i32
    %dma_start3A_44 = tpu.memref_slice %arg2[%dma_start3A_42, %dma_start3A_43] : memref<1000000x128xf32, #tpu.memory_space<hbm>> -> memref<1000000x128xf32, #tpu.memory_space<hbm>>
    %dma_start3A_45 = tpu.memref_slice %arg7[%dma_start3A_34] : memref<5x!tpu.dma_semaphore, #tpu.memory_space<semaphore_mem>> -> memref<1x!tpu.dma_semaphore, #tpu.memory_space<semaphore_mem>>
    %dma_start3A_46 = tpu.memref_squeeze %dma_start3A_45 : memref<1x!tpu.dma_semaphore, #tpu.memory_space<semaphore_mem>> -> memref<!tpu.dma_semaphore, #tpu.memory_space<semaphore_mem>>
    tpu.enqueue_indirect_dma source(%dma_start3A_44 : memref<1000000x128xf32, #tpu.memory_space<hbm>>) target(%dma_start3A_38 : memref<128x128xf32, #tpu.memory_space<vmem>>) offsets(%dma_start3A_41 : memref<128xi32, #tpu.memory_space<vmem>>) semaphore(%dma_start3A_46 : memref<!tpu.dma_semaphore, #tpu.memory_space<semaphore_mem>>)
    %scan3A = arith.constant 0 : i32
    %scan3A_47 = arith.constant 0 : i32
    %scan3A_48 = arith.constant 40 : i32
    %scan3A_49 = arith.addi %scan3A_47, %scan3A_48 : i32
    %scan3A_50 = arith.constant 1 : i32
    scf.for %scan3A_91 = %scan3A_47 to %scan3A_49 step %scan3A_50  : i32 {
      %mul3A_92 = arith.constant 5 : i32
      %mul3A_93 = arith.muli %scan3A_91, %mul3A_92 : i32
      %add3A_94 = arith.constant 0 : i32
      %add3A_95 = arith.addi %mul3A_93, %add3A_94 : i32
      %dma_wait3A_96 = arith.constant 0 : i32
      %dma_wait3A_97 = arith.constant 0 : i32
      %dma_wait3A_98 = arith.constant 0 : i32
      %dma_wait3A_99 = arith.constant 0 : i32
      %dma_wait3A_100 = tpu.memref_slice %arg6[%dma_wait3A_96, %dma_wait3A_98, %dma_wait3A_99] : memref<5x128x128xf32, #tpu.memory_space<vmem>> -> memref<1x128x128xf32, #tpu.memory_space<vmem>>
      %dma_wait3A_101 = tpu.memref_squeeze %dma_wait3A_100 : memref<1x128x128xf32, #tpu.memory_space<vmem>> -> memref<128x128xf32, #tpu.memory_space<vmem>>
      %dma_wait3A_102 = arith.constant 0 : i32
      %dma_wait3A_103 = tpu.memref_slice %arg5[%add3A_95, %dma_wait3A_102] : memref<200x128xi32, #tpu.memory_space<vmem>> -> memref<1x128xi32, #tpu.memory_space<vmem>>
      %dma_wait3A_104 = tpu.memref_squeeze %dma_wait3A_103 : memref<1x128xi32, #tpu.memory_space<vmem>> -> memref<128xi32, #tpu.memory_space<vmem>>
      %dma_wait3A_105 = arith.constant 0 : i32
      %dma_wait3A_106 = arith.constant 0 : i32
      %dma_wait3A_107 = tpu.memref_slice %arg2[%dma_wait3A_105, %dma_wait3A_106] : memref<1000000x128xf32, #tpu.memory_space<hbm>> -> memref<1000000x128xf32, #tpu.memory_space<hbm>>
      %dma_wait3A_108 = tpu.memref_slice %arg7[%dma_wait3A_97] : memref<5x!tpu.dma_semaphore, #tpu.memory_space<semaphore_mem>> -> memref<1x!tpu.dma_semaphore, #tpu.memory_space<semaphore_mem>>
      %dma_wait3A_109 = tpu.memref_squeeze %dma_wait3A_108 : memref<1x!tpu.dma_semaphore, #tpu.memory_space<semaphore_mem>> -> memref<!tpu.dma_semaphore, #tpu.memory_space<semaphore_mem>>
      tpu.wait_indirect_dma semaphore(%dma_wait3A_109 : memref<!tpu.dma_semaphore, #tpu.memory_space<semaphore_mem>>) src(%dma_wait3A_107 : memref<1000000x128xf32, #tpu.memory_space<hbm>>) dst(%dma_wait3A_101 : memref<128x128xf32, #tpu.memory_space<vmem>>)
      %add3A_110 = arith.addi %mul3A_2, %add3A_95 : i32
      %mul3A_111 = arith.constant 128 : i32
      %mul3A_112 = arith.muli %add3A_110, %mul3A_111 : i32
      %dma_start3A_113 = arith.constant 0 : i32
      %dma_start3A_114 = arith.constant 0 : i32
      %dma_start3A_115 = arith.constant 0 : i32
      %dma_start3A_116 = arith.constant 0 : i32
      %dma_start3A_117 = tpu.memref_slice %arg6[%dma_start3A_113, %dma_start3A_115, %dma_start3A_116] : memref<5x128x128xf32, #tpu.memory_space<vmem>> -> memref<1x128x64xf32, #tpu.memory_space<vmem>>
      %dma_start3A_118 = tpu.memref_squeeze %dma_start3A_117 : memref<1x128x64xf32, #tpu.memory_space<vmem>> -> memref<128x64xf32, #tpu.memory_space<vmem>>
      %dma_start3A_119 = arith.constant 0 : i32
      %dma_start3A_120 = tpu.memref_slice %arg4[%mul3A_112, %dma_start3A_119] : memref<819200x128xf32, #tpu.memory_space<hbm>> -> memref<128x64xf32, #tpu.memory_space<hbm>>
      %dma_start3A_121 = tpu.memref_slice %arg8[%dma_start3A_114] : memref<5x!tpu.dma_semaphore, #tpu.memory_space<semaphore_mem>> -> memref<1x!tpu.dma_semaphore, #tpu.memory_space<semaphore_mem>>
      %dma_start3A_122 = tpu.memref_squeeze %dma_start3A_121 : memref<1x!tpu.dma_semaphore, #tpu.memory_space<semaphore_mem>> -> memref<!tpu.dma_semaphore, #tpu.memory_space<semaphore_mem>>
      %dma_start3A_123 = arith.constant 0 : i32
      %dma_start3A_124 = tpu.memref_slice %arg4[%mul3A_112, %dma_start3A_123] : memref<819200x128xf32, #tpu.memory_space<hbm>> -> memref<128x64xf32, #tpu.memory_space<hbm>>
      %dma_start3A_125 = arith.constant 0 : i32
      %dma_start3A_126 = arith.constant 0 : i32
      %dma_start3A_127 = tpu.memref_slice %arg6[%dma_start3A_113, %dma_start3A_125, %dma_start3A_126] : memref<5x128x128xf32, #tpu.memory_space<vmem>> -> memref<1x128x64xf32, #tpu.memory_space<vmem>>
      %dma_start3A_128 = tpu.memref_squeeze %dma_start3A_127 : memref<1x128x64xf32, #tpu.memory_space<vmem>> -> memref<128x64xf32, #tpu.memory_space<vmem>>
      tpu.enqueue_dma source(%dma_start3A_128 : memref<128x64xf32, #tpu.memory_space<vmem>>) target(%dma_start3A_124 : memref<128x64xf32, #tpu.memory_space<hbm>>) target_semaphore(%dma_start3A_122 : memref<!tpu.dma_semaphore, #tpu.memory_space<semaphore_mem>>)
      %add3A_129 = arith.constant 3 : i32
      %add3A_130 = arith.addi %add3A_95, %add3A_129 : i32
      %ge3A = arith.constant 2 : i32
      %ge3A_131 = arith.cmpi sge, %add3A_95, %ge3A : i32
      %convert_element_type3A = arith.extui %ge3A_131 : i1 to i32
      %cond3A = arith.constant 0 : i32
      %cond3A_132 = arith.cmpi ne, %convert_element_type3A, %cond3A : i32
      scf.if %cond3A_132 {
        %add3A_325 = arith.addi %mul3A_2, %add3A_95 : i32
        %sub3A = arith.constant 2 : i32
        %sub3A_326 = arith.subi %add3A_325, %sub3A : i32
        %mul3A_327 = arith.constant 128 : i32
        %mul3A_328 = arith.muli %sub3A_326, %mul3A_327 : i32
        %dma_wait3A_329 = arith.constant 3 : i32
        %dma_wait3A_330 = arith.constant 3 : i32
        %dma_wait3A_331 = arith.constant 0 : i32
        %dma_wait3A_332 = arith.constant 0 : i32
        %dma_wait3A_333 = tpu.memref_slice %arg6[%dma_wait3A_329, %dma_wait3A_331, %dma_wait3A_332] : memref<5x128x128xf32, #tpu.memory_space<vmem>> -> memref<1x128x64xf32, #tpu.memory_space<vmem>>
        %dma_wait3A_334 = tpu.memref_squeeze %dma_wait3A_333 : memref<1x128x64xf32, #tpu.memory_space<vmem>> -> memref<128x64xf32, #tpu.memory_space<vmem>>
        %dma_wait3A_335 = arith.constant 0 : i32
        %dma_wait3A_336 = tpu.memref_slice %arg4[%mul3A_328, %dma_wait3A_335] : memref<819200x128xf32, #tpu.memory_space<hbm>> -> memref<128x64xf32, #tpu.memory_space<hbm>>
        %dma_wait3A_337 = tpu.memref_slice %arg8[%dma_wait3A_330] : memref<5x!tpu.dma_semaphore, #tpu.memory_space<semaphore_mem>> -> memref<1x!tpu.dma_semaphore, #tpu.memory_space<semaphore_mem>>
        %dma_wait3A_338 = tpu.memref_squeeze %dma_wait3A_337 : memref<1x!tpu.dma_semaphore, #tpu.memory_space<semaphore_mem>> -> memref<!tpu.dma_semaphore, #tpu.memory_space<semaphore_mem>>
        %dma_wait3A_339 = arith.constant 0 : i32
        %dma_wait3A_340 = tpu.memref_slice %arg4[%mul3A_328, %dma_wait3A_339] : memref<819200x128xf32, #tpu.memory_space<hbm>> -> memref<128x64xf32, #tpu.memory_space<hbm>>
        %dma_wait3A_341 = arith.constant 0 : i32
        %dma_wait3A_342 = arith.constant 0 : i32
        %dma_wait3A_343 = tpu.memref_slice %arg6[%dma_wait3A_329, %dma_wait3A_341, %dma_wait3A_342] : memref<5x128x128xf32, #tpu.memory_space<vmem>> -> memref<1x128x64xf32, #tpu.memory_space<vmem>>
        %dma_wait3A_344 = tpu.memref_squeeze %dma_wait3A_343 : memref<1x128x64xf32, #tpu.memory_space<vmem>> -> memref<128x64xf32, #tpu.memory_space<vmem>>
        tpu.wait_dma2 semaphore(%dma_wait3A_338 : memref<!tpu.dma_semaphore, #tpu.memory_space<semaphore_mem>>) src(%dma_wait3A_344 : memref<128x64xf32, #tpu.memory_space<vmem>>) dst(%dma_wait3A_340 : memref<128x64xf32, #tpu.memory_space<hbm>>)
      } else {
      }
      %lt3A = arith.constant 200 : i32
      %lt3A_133 = arith.cmpi slt, %add3A_130, %lt3A : i32
      %convert_element_type3A_134 = arith.extui %lt3A_133 : i1 to i32
      %cond3A_135 = arith.constant 0 : i32
      %cond3A_136 = arith.cmpi ne, %convert_element_type3A_134, %cond3A_135 : i32
      scf.if %cond3A_136 {
        %dma_start3A_325 = arith.constant 3 : i32
        %dma_start3A_326 = arith.constant 3 : i32
        %dma_start3A_327 = arith.constant 0 : i32
        %dma_start3A_328 = arith.constant 0 : i32
        %dma_start3A_329 = tpu.memref_slice %arg6[%dma_start3A_325, %dma_start3A_327, %dma_start3A_328] : memref<5x128x128xf32, #tpu.memory_space<vmem>> -> memref<1x128x128xf32, #tpu.memory_space<vmem>>
        %dma_start3A_330 = tpu.memref_squeeze %dma_start3A_329 : memref<1x128x128xf32, #tpu.memory_space<vmem>> -> memref<128x128xf32, #tpu.memory_space<vmem>>
        %dma_start3A_331 = arith.constant 0 : i32
        %dma_start3A_332 = tpu.memref_slice %arg5[%add3A_130, %dma_start3A_331] : memref<200x128xi32, #tpu.memory_space<vmem>> -> memref<1x128xi32, #tpu.memory_space<vmem>>
        %dma_start3A_333 = tpu.memref_squeeze %dma_start3A_332 : memref<1x128xi32, #tpu.memory_space<vmem>> -> memref<128xi32, #tpu.memory_space<vmem>>
        %dma_start3A_334 = arith.constant 0 : i32
        %dma_start3A_335 = arith.constant 0 : i32
        %dma_start3A_336 = tpu.memref_slice %arg2[%dma_start3A_334, %dma_start3A_335] : memref<1000000x128xf32, #tpu.memory_space<hbm>> -> memref<1000000x128xf32, #tpu.memory_space<hbm>>
        %dma_start3A_337 = tpu.memref_slice %arg7[%dma_start3A_326] : memref<5x!tpu.dma_semaphore, #tpu.memory_space<semaphore_mem>> -> memref<1x!tpu.dma_semaphore, #tpu.memory_space<semaphore_mem>>
        %dma_start3A_338 = tpu.memref_squeeze %dma_start3A_337 : memref<1x!tpu.dma_semaphore, #tpu.memory_space<semaphore_mem>> -> memref<!tpu.dma_semaphore, #tpu.memory_space<semaphore_mem>>
        tpu.enqueue_indirect_dma source(%dma_start3A_336 : memref<1000000x128xf32, #tpu.memory_space<hbm>>) target(%dma_start3A_330 : memref<128x128xf32, #tpu.memory_space<vmem>>) offsets(%dma_start3A_333 : memref<128xi32, #tpu.memory_space<vmem>>) semaphore(%dma_start3A_338 : memref<!tpu.dma_semaphore, #tpu.memory_space<semaphore_mem>>)
      } else {
      }
      %add3A_137 = arith.constant 1 : i32
      %add3A_138 = arith.addi %mul3A_93, %add3A_137 : i32
      %dma_wait3A_139 = arith.constant 1 : i32
      %dma_wait3A_140 = arith.constant 1 : i32
      %dma_wait3A_141 = arith.constant 0 : i32
      %dma_wait3A_142 = arith.constant 0 : i32
      %dma_wait3A_143 = tpu.memref_slice %arg6[%dma_wait3A_139, %dma_wait3A_141, %dma_wait3A_142] : memref<5x128x128xf32, #tpu.memory_space<vmem>> -> memref<1x128x128xf32, #tpu.memory_space<vmem>>
      %dma_wait3A_144 = tpu.memref_squeeze %dma_wait3A_143 : memref<1x128x128xf32, #tpu.memory_space<vmem>> -> memref<128x128xf32, #tpu.memory_space<vmem>>
      %dma_wait3A_145 = arith.constant 0 : i32
      %dma_wait3A_146 = tpu.memref_slice %arg5[%add3A_138, %dma_wait3A_145] : memref<200x128xi32, #tpu.memory_space<vmem>> -> memref<1x128xi32, #tpu.memory_space<vmem>>
      %dma_wait3A_147 = tpu.memref_squeeze %dma_wait3A_146 : memref<1x128xi32, #tpu.memory_space<vmem>> -> memref<128xi32, #tpu.memory_space<vmem>>
      %dma_wait3A_148 = arith.constant 0 : i32
      %dma_wait3A_149 = arith.constant 0 : i32
      %dma_wait3A_150 = tpu.memref_slice %arg2[%dma_wait3A_148, %dma_wait3A_149] : memref<1000000x128xf32, #tpu.memory_space<hbm>> -> memref<1000000x128xf32, #tpu.memory_space<hbm>>
      %dma_wait3A_151 = tpu.memref_slice %arg7[%dma_wait3A_140] : memref<5x!tpu.dma_semaphore, #tpu.memory_space<semaphore_mem>> -> memref<1x!tpu.dma_semaphore, #tpu.memory_space<semaphore_mem>>
      %dma_wait3A_152 = tpu.memref_squeeze %dma_wait3A_151 : memref<1x!tpu.dma_semaphore, #tpu.memory_space<semaphore_mem>> -> memref<!tpu.dma_semaphore, #tpu.memory_space<semaphore_mem>>
      tpu.wait_indirect_dma semaphore(%dma_wait3A_152 : memref<!tpu.dma_semaphore, #tpu.memory_space<semaphore_mem>>) src(%dma_wait3A_150 : memref<1000000x128xf32, #tpu.memory_space<hbm>>) dst(%dma_wait3A_144 : memref<128x128xf32, #tpu.memory_space<vmem>>)
      %add3A_153 = arith.addi %mul3A_2, %add3A_138 : i32
      %mul3A_154 = arith.constant 128 : i32
      %mul3A_155 = arith.muli %add3A_153, %mul3A_154 : i32
      %dma_start3A_156 = arith.constant 1 : i32
      %dma_start3A_157 = arith.constant 1 : i32
      %dma_start3A_158 = arith.constant 0 : i32
      %dma_start3A_159 = arith.constant 0 : i32
      %dma_start3A_160 = tpu.memref_slice %arg6[%dma_start3A_156, %dma_start3A_158, %dma_start3A_159] : memref<5x128x128xf32, #tpu.memory_space<vmem>> -> memref<1x128x64xf32, #tpu.memory_space<vmem>>
      %dma_start3A_161 = tpu.memref_squeeze %dma_start3A_160 : memref<1x128x64xf32, #tpu.memory_space<vmem>> -> memref<128x64xf32, #tpu.memory_space<vmem>>
      %dma_start3A_162 = arith.constant 0 : i32
      %dma_start3A_163 = tpu.memref_slice %arg4[%mul3A_155, %dma_start3A_162] : memref<819200x128xf32, #tpu.memory_space<hbm>> -> memref<128x64xf32, #tpu.memory_space<hbm>>
      %dma_start3A_164 = tpu.memref_slice %arg8[%dma_start3A_157] : memref<5x!tpu.dma_semaphore, #tpu.memory_space<semaphore_mem>> -> memref<1x!tpu.dma_semaphore, #tpu.memory_space<semaphore_mem>>
      %dma_start3A_165 = tpu.memref_squeeze %dma_start3A_164 : memref<1x!tpu.dma_semaphore, #tpu.memory_space<semaphore_mem>> -> memref<!tpu.dma_semaphore, #tpu.memory_space<semaphore_mem>>
      %dma_start3A_166 = arith.constant 0 : i32
      %dma_start3A_167 = tpu.memref_slice %arg4[%mul3A_155, %dma_start3A_166] : memref<819200x128xf32, #tpu.memory_space<hbm>> -> memref<128x64xf32, #tpu.memory_space<hbm>>
      %dma_start3A_168 = arith.constant 0 : i32
      %dma_start3A_169 = arith.constant 0 : i32
      %dma_start3A_170 = tpu.memref_slice %arg6[%dma_start3A_156, %dma_start3A_168, %dma_start3A_169] : memref<5x128x128xf32, #tpu.memory_space<vmem>> -> memref<1x128x64xf32, #tpu.memory_space<vmem>>
      %dma_start3A_171 = tpu.memref_squeeze %dma_start3A_170 : memref<1x128x64xf32, #tpu.memory_space<vmem>> -> memref<128x64xf32, #tpu.memory_space<vmem>>
      tpu.enqueue_dma source(%dma_start3A_171 : memref<128x64xf32, #tpu.memory_space<vmem>>) target(%dma_start3A_167 : memref<128x64xf32, #tpu.memory_space<hbm>>) target_semaphore(%dma_start3A_165 : memref<!tpu.dma_semaphore, #tpu.memory_space<semaphore_mem>>)
      %add3A_172 = arith.constant 3 : i32
      %add3A_173 = arith.addi %add3A_138, %add3A_172 : i32
      %ge3A_174 = arith.constant 2 : i32
      %ge3A_175 = arith.cmpi sge, %add3A_138, %ge3A_174 : i32
      %convert_element_type3A_176 = arith.extui %ge3A_175 : i1 to i32
      %cond3A_177 = arith.constant 0 : i32
      %cond3A_178 = arith.cmpi ne, %convert_element_type3A_176, %cond3A_177 : i32
      scf.if %cond3A_178 {
        %add3A_325 = arith.addi %mul3A_2, %add3A_138 : i32
        %sub3A = arith.constant 2 : i32
        %sub3A_326 = arith.subi %add3A_325, %sub3A : i32
        %mul3A_327 = arith.constant 128 : i32
        %mul3A_328 = arith.muli %sub3A_326, %mul3A_327 : i32
        %dma_wait3A_329 = arith.constant 4 : i32
        %dma_wait3A_330 = arith.constant 4 : i32
        %dma_wait3A_331 = arith.constant 0 : i32
        %dma_wait3A_332 = arith.constant 0 : i32
        %dma_wait3A_333 = tpu.memref_slice %arg6[%dma_wait3A_329, %dma_wait3A_331, %dma_wait3A_332] : memref<5x128x128xf32, #tpu.memory_space<vmem>> -> memref<1x128x64xf32, #tpu.memory_space<vmem>>
        %dma_wait3A_334 = tpu.memref_squeeze %dma_wait3A_333 : memref<1x128x64xf32, #tpu.memory_space<vmem>> -> memref<128x64xf32, #tpu.memory_space<vmem>>
        %dma_wait3A_335 = arith.constant 0 : i32
        %dma_wait3A_336 = tpu.memref_slice %arg4[%mul3A_328, %dma_wait3A_335] : memref<819200x128xf32, #tpu.memory_space<hbm>> -> memref<128x64xf32, #tpu.memory_space<hbm>>
        %dma_wait3A_337 = tpu.memref_slice %arg8[%dma_wait3A_330] : memref<5x!tpu.dma_semaphore, #tpu.memory_space<semaphore_mem>> -> memref<1x!tpu.dma_semaphore, #tpu.memory_space<semaphore_mem>>
        %dma_wait3A_338 = tpu.memref_squeeze %dma_wait3A_337 : memref<1x!tpu.dma_semaphore, #tpu.memory_space<semaphore_mem>> -> memref<!tpu.dma_semaphore, #tpu.memory_space<semaphore_mem>>
        %dma_wait3A_339 = arith.constant 0 : i32
        %dma_wait3A_340 = tpu.memref_slice %arg4[%mul3A_328, %dma_wait3A_339] : memref<819200x128xf32, #tpu.memory_space<hbm>> -> memref<128x64xf32, #tpu.memory_space<hbm>>
        %dma_wait3A_341 = arith.constant 0 : i32
        %dma_wait3A_342 = arith.constant 0 : i32
        %dma_wait3A_343 = tpu.memref_slice %arg6[%dma_wait3A_329, %dma_wait3A_341, %dma_wait3A_342] : memref<5x128x128xf32, #tpu.memory_space<vmem>> -> memref<1x128x64xf32, #tpu.memory_space<vmem>>
        %dma_wait3A_344 = tpu.memref_squeeze %dma_wait3A_343 : memref<1x128x64xf32, #tpu.memory_space<vmem>> -> memref<128x64xf32, #tpu.memory_space<vmem>>
        tpu.wait_dma2 semaphore(%dma_wait3A_338 : memref<!tpu.dma_semaphore, #tpu.memory_space<semaphore_mem>>) src(%dma_wait3A_344 : memref<128x64xf32, #tpu.memory_space<vmem>>) dst(%dma_wait3A_340 : memref<128x64xf32, #tpu.memory_space<hbm>>)
      } else {
      }
      %lt3A_179 = arith.constant 200 : i32
      %lt3A_180 = arith.cmpi slt, %add3A_173, %lt3A_179 : i32
      %convert_element_type3A_181 = arith.extui %lt3A_180 : i1 to i32
      %cond3A_182 = arith.constant 0 : i32
      %cond3A_183 = arith.cmpi ne, %convert_element_type3A_181, %cond3A_182 : i32
      scf.if %cond3A_183 {
        %dma_start3A_325 = arith.constant 4 : i32
        %dma_start3A_326 = arith.constant 4 : i32
        %dma_start3A_327 = arith.constant 0 : i32
        %dma_start3A_328 = arith.constant 0 : i32
        %dma_start3A_329 = tpu.memref_slice %arg6[%dma_start3A_325, %dma_start3A_327, %dma_start3A_328] : memref<5x128x128xf32, #tpu.memory_space<vmem>> -> memref<1x128x128xf32, #tpu.memory_space<vmem>>
        %dma_start3A_330 = tpu.memref_squeeze %dma_start3A_329 : memref<1x128x128xf32, #tpu.memory_space<vmem>> -> memref<128x128xf32, #tpu.memory_space<vmem>>
        %dma_start3A_331 = arith.constant 0 : i32
        %dma_start3A_332 = tpu.memref_slice %arg5[%add3A_173, %dma_start3A_331] : memref<200x128xi32, #tpu.memory_space<vmem>> -> memref<1x128xi32, #tpu.memory_space<vmem>>
        %dma_start3A_333 = tpu.memref_squeeze %dma_start3A_332 : memref<1x128xi32, #tpu.memory_space<vmem>> -> memref<128xi32, #tpu.memory_space<vmem>>
        %dma_start3A_334 = arith.constant 0 : i32
        %dma_start3A_335 = arith.constant 0 : i32
        %dma_start3A_336 = tpu.memref_slice %arg2[%dma_start3A_334, %dma_start3A_335] : memref<1000000x128xf32, #tpu.memory_space<hbm>> -> memref<1000000x128xf32, #tpu.memory_space<hbm>>
        %dma_start3A_337 = tpu.memref_slice %arg7[%dma_start3A_326] : memref<5x!tpu.dma_semaphore, #tpu.memory_space<semaphore_mem>> -> memref<1x!tpu.dma_semaphore, #tpu.memory_space<semaphore_mem>>
        %dma_start3A_338 = tpu.memref_squeeze %dma_start3A_337 : memref<1x!tpu.dma_semaphore, #tpu.memory_space<semaphore_mem>> -> memref<!tpu.dma_semaphore, #tpu.memory_space<semaphore_mem>>
        tpu.enqueue_indirect_dma source(%dma_start3A_336 : memref<1000000x128xf32, #tpu.memory_space<hbm>>) target(%dma_start3A_330 : memref<128x128xf32, #tpu.memory_space<vmem>>) offsets(%dma_start3A_333 : memref<128xi32, #tpu.memory_space<vmem>>) semaphore(%dma_start3A_338 : memref<!tpu.dma_semaphore, #tpu.memory_space<semaphore_mem>>)
      } else {
      }
      %add3A_184 = arith.constant 2 : i32
      %add3A_185 = arith.addi %mul3A_93, %add3A_184 : i32
      %dma_wait3A_186 = arith.constant 2 : i32
      %dma_wait3A_187 = arith.constant 2 : i32
      %dma_wait3A_188 = arith.constant 0 : i32
      %dma_wait3A_189 = arith.constant 0 : i32
      %dma_wait3A_190 = tpu.memref_slice %arg6[%dma_wait3A_186, %dma_wait3A_188, %dma_wait3A_189] : memref<5x128x128xf32, #tpu.memory_space<vmem>> -> memref<1x128x128xf32, #tpu.memory_space<vmem>>
      %dma_wait3A_191 = tpu.memref_squeeze %dma_wait3A_190 : memref<1x128x128xf32, #tpu.memory_space<vmem>> -> memref<128x128xf32, #tpu.memory_space<vmem>>
      %dma_wait3A_192 = arith.constant 0 : i32
      %dma_wait3A_193 = tpu.memref_slice %arg5[%add3A_185, %dma_wait3A_192] : memref<200x128xi32, #tpu.memory_space<vmem>> -> memref<1x128xi32, #tpu.memory_space<vmem>>
      %dma_wait3A_194 = tpu.memref_squeeze %dma_wait3A_193 : memref<1x128xi32, #tpu.memory_space<vmem>> -> memref<128xi32, #tpu.memory_space<vmem>>
      %dma_wait3A_195 = arith.constant 0 : i32
      %dma_wait3A_196 = arith.constant 0 : i32
      %dma_wait3A_197 = tpu.memref_slice %arg2[%dma_wait3A_195, %dma_wait3A_196] : memref<1000000x128xf32, #tpu.memory_space<hbm>> -> memref<1000000x128xf32, #tpu.memory_space<hbm>>
      %dma_wait3A_198 = tpu.memref_slice %arg7[%dma_wait3A_187] : memref<5x!tpu.dma_semaphore, #tpu.memory_space<semaphore_mem>> -> memref<1x!tpu.dma_semaphore, #tpu.memory_space<semaphore_mem>>
      %dma_wait3A_199 = tpu.memref_squeeze %dma_wait3A_198 : memref<1x!tpu.dma_semaphore, #tpu.memory_space<semaphore_mem>> -> memref<!tpu.dma_semaphore, #tpu.memory_space<semaphore_mem>>
      tpu.wait_indirect_dma semaphore(%dma_wait3A_199 : memref<!tpu.dma_semaphore, #tpu.memory_space<semaphore_mem>>) src(%dma_wait3A_197 : memref<1000000x128xf32, #tpu.memory_space<hbm>>) dst(%dma_wait3A_191 : memref<128x128xf32, #tpu.memory_space<vmem>>)
      %add3A_200 = arith.addi %mul3A_2, %add3A_185 : i32
      %mul3A_201 = arith.constant 128 : i32
      %mul3A_202 = arith.muli %add3A_200, %mul3A_201 : i32
      %dma_start3A_203 = arith.constant 2 : i32
      %dma_start3A_204 = arith.constant 2 : i32
      %dma_start3A_205 = arith.constant 0 : i32
      %dma_start3A_206 = arith.constant 0 : i32
      %dma_start3A_207 = tpu.memref_slice %arg6[%dma_start3A_203, %dma_start3A_205, %dma_start3A_206] : memref<5x128x128xf32, #tpu.memory_space<vmem>> -> memref<1x128x64xf32, #tpu.memory_space<vmem>>
      %dma_start3A_208 = tpu.memref_squeeze %dma_start3A_207 : memref<1x128x64xf32, #tpu.memory_space<vmem>> -> memref<128x64xf32, #tpu.memory_space<vmem>>
      %dma_start3A_209 = arith.constant 0 : i32
      %dma_start3A_210 = tpu.memref_slice %arg4[%mul3A_202, %dma_start3A_209] : memref<819200x128xf32, #tpu.memory_space<hbm>> -> memref<128x64xf32, #tpu.memory_space<hbm>>
      %dma_start3A_211 = tpu.memref_slice %arg8[%dma_start3A_204] : memref<5x!tpu.dma_semaphore, #tpu.memory_space<semaphore_mem>> -> memref<1x!tpu.dma_semaphore, #tpu.memory_space<semaphore_mem>>
      %dma_start3A_212 = tpu.memref_squeeze %dma_start3A_211 : memref<1x!tpu.dma_semaphore, #tpu.memory_space<semaphore_mem>> -> memref<!tpu.dma_semaphore, #tpu.memory_space<semaphore_mem>>
      %dma_start3A_213 = arith.constant 0 : i32
      %dma_start3A_214 = tpu.memref_slice %arg4[%mul3A_202, %dma_start3A_213] : memref<819200x128xf32, #tpu.memory_space<hbm>> -> memref<128x64xf32, #tpu.memory_space<hbm>>
      %dma_start3A_215 = arith.constant 0 : i32
      %dma_start3A_216 = arith.constant 0 : i32
      %dma_start3A_217 = tpu.memref_slice %arg6[%dma_start3A_203, %dma_start3A_215, %dma_start3A_216] : memref<5x128x128xf32, #tpu.memory_space<vmem>> -> memref<1x128x64xf32, #tpu.memory_space<vmem>>
      %dma_start3A_218 = tpu.memref_squeeze %dma_start3A_217 : memref<1x128x64xf32, #tpu.memory_space<vmem>> -> memref<128x64xf32, #tpu.memory_space<vmem>>
      tpu.enqueue_dma source(%dma_start3A_218 : memref<128x64xf32, #tpu.memory_space<vmem>>) target(%dma_start3A_214 : memref<128x64xf32, #tpu.memory_space<hbm>>) target_semaphore(%dma_start3A_212 : memref<!tpu.dma_semaphore, #tpu.memory_space<semaphore_mem>>)
      %add3A_219 = arith.constant 3 : i32
      %add3A_220 = arith.addi %add3A_185, %add3A_219 : i32
      %ge3A_221 = arith.constant 2 : i32
      %ge3A_222 = arith.cmpi sge, %add3A_185, %ge3A_221 : i32
      %convert_element_type3A_223 = arith.extui %ge3A_222 : i1 to i32
      %cond3A_224 = arith.constant 0 : i32
      %cond3A_225 = arith.cmpi ne, %convert_element_type3A_223, %cond3A_224 : i32
      scf.if %cond3A_225 {
        %add3A_325 = arith.addi %mul3A_2, %add3A_185 : i32
        %sub3A = arith.constant 2 : i32
        %sub3A_326 = arith.subi %add3A_325, %sub3A : i32
        %mul3A_327 = arith.constant 128 : i32
        %mul3A_328 = arith.muli %sub3A_326, %mul3A_327 : i32
        %dma_wait3A_329 = arith.constant 0 : i32
        %dma_wait3A_330 = arith.constant 0 : i32
        %dma_wait3A_331 = arith.constant 0 : i32
        %dma_wait3A_332 = arith.constant 0 : i32
        %dma_wait3A_333 = tpu.memref_slice %arg6[%dma_wait3A_329, %dma_wait3A_331, %dma_wait3A_332] : memref<5x128x128xf32, #tpu.memory_space<vmem>> -> memref<1x128x64xf32, #tpu.memory_space<vmem>>
        %dma_wait3A_334 = tpu.memref_squeeze %dma_wait3A_333 : memref<1x128x64xf32, #tpu.memory_space<vmem>> -> memref<128x64xf32, #tpu.memory_space<vmem>>
        %dma_wait3A_335 = arith.constant 0 : i32
        %dma_wait3A_336 = tpu.memref_slice %arg4[%mul3A_328, %dma_wait3A_335] : memref<819200x128xf32, #tpu.memory_space<hbm>> -> memref<128x64xf32, #tpu.memory_space<hbm>>
        %dma_wait3A_337 = tpu.memref_slice %arg8[%dma_wait3A_330] : memref<5x!tpu.dma_semaphore, #tpu.memory_space<semaphore_mem>> -> memref<1x!tpu.dma_semaphore, #tpu.memory_space<semaphore_mem>>
        %dma_wait3A_338 = tpu.memref_squeeze %dma_wait3A_337 : memref<1x!tpu.dma_semaphore, #tpu.memory_space<semaphore_mem>> -> memref<!tpu.dma_semaphore, #tpu.memory_space<semaphore_mem>>
        %dma_wait3A_339 = arith.constant 0 : i32
        %dma_wait3A_340 = tpu.memref_slice %arg4[%mul3A_328, %dma_wait3A_339] : memref<819200x128xf32, #tpu.memory_space<hbm>> -> memref<128x64xf32, #tpu.memory_space<hbm>>
        %dma_wait3A_341 = arith.constant 0 : i32
        %dma_wait3A_342 = arith.constant 0 : i32
        %dma_wait3A_343 = tpu.memref_slice %arg6[%dma_wait3A_329, %dma_wait3A_341, %dma_wait3A_342] : memref<5x128x128xf32, #tpu.memory_space<vmem>> -> memref<1x128x64xf32, #tpu.memory_space<vmem>>
        %dma_wait3A_344 = tpu.memref_squeeze %dma_wait3A_343 : memref<1x128x64xf32, #tpu.memory_space<vmem>> -> memref<128x64xf32, #tpu.memory_space<vmem>>
        tpu.wait_dma2 semaphore(%dma_wait3A_338 : memref<!tpu.dma_semaphore, #tpu.memory_space<semaphore_mem>>) src(%dma_wait3A_344 : memref<128x64xf32, #tpu.memory_space<vmem>>) dst(%dma_wait3A_340 : memref<128x64xf32, #tpu.memory_space<hbm>>)
      } else {
      }
      %lt3A_226 = arith.constant 200 : i32
      %lt3A_227 = arith.cmpi slt, %add3A_220, %lt3A_226 : i32
      %convert_element_type3A_228 = arith.extui %lt3A_227 : i1 to i32
      %cond3A_229 = arith.constant 0 : i32
      %cond3A_230 = arith.cmpi ne, %convert_element_type3A_228, %cond3A_229 : i32
      scf.if %cond3A_230 {
        %dma_start3A_325 = arith.constant 0 : i32
        %dma_start3A_326 = arith.constant 0 : i32
        %dma_start3A_327 = arith.constant 0 : i32
        %dma_start3A_328 = arith.constant 0 : i32
        %dma_start3A_329 = tpu.memref_slice %arg6[%dma_start3A_325, %dma_start3A_327, %dma_start3A_328] : memref<5x128x128xf32, #tpu.memory_space<vmem>> -> memref<1x128x128xf32, #tpu.memory_space<vmem>>
        %dma_start3A_330 = tpu.memref_squeeze %dma_start3A_329 : memref<1x128x128xf32, #tpu.memory_space<vmem>> -> memref<128x128xf32, #tpu.memory_space<vmem>>
        %dma_start3A_331 = arith.constant 0 : i32
        %dma_start3A_332 = tpu.memref_slice %arg5[%add3A_220, %dma_start3A_331] : memref<200x128xi32, #tpu.memory_space<vmem>> -> memref<1x128xi32, #tpu.memory_space<vmem>>
        %dma_start3A_333 = tpu.memref_squeeze %dma_start3A_332 : memref<1x128xi32, #tpu.memory_space<vmem>> -> memref<128xi32, #tpu.memory_space<vmem>>
        %dma_start3A_334 = arith.constant 0 : i32
        %dma_start3A_335 = arith.constant 0 : i32
        %dma_start3A_336 = tpu.memref_slice %arg2[%dma_start3A_334, %dma_start3A_335] : memref<1000000x128xf32, #tpu.memory_space<hbm>> -> memref<1000000x128xf32, #tpu.memory_space<hbm>>
        %dma_start3A_337 = tpu.memref_slice %arg7[%dma_start3A_326] : memref<5x!tpu.dma_semaphore, #tpu.memory_space<semaphore_mem>> -> memref<1x!tpu.dma_semaphore, #tpu.memory_space<semaphore_mem>>
        %dma_start3A_338 = tpu.memref_squeeze %dma_start3A_337 : memref<1x!tpu.dma_semaphore, #tpu.memory_space<semaphore_mem>> -> memref<!tpu.dma_semaphore, #tpu.memory_space<semaphore_mem>>
        tpu.enqueue_indirect_dma source(%dma_start3A_336 : memref<1000000x128xf32, #tpu.memory_space<hbm>>) target(%dma_start3A_330 : memref<128x128xf32, #tpu.memory_space<vmem>>) offsets(%dma_start3A_333 : memref<128xi32, #tpu.memory_space<vmem>>) semaphore(%dma_start3A_338 : memref<!tpu.dma_semaphore, #tpu.memory_space<semaphore_mem>>)
      } else {
      }
      %add3A_231 = arith.constant 3 : i32
      %add3A_232 = arith.addi %mul3A_93, %add3A_231 : i32
      %dma_wait3A_233 = arith.constant 3 : i32
      %dma_wait3A_234 = arith.constant 3 : i32
      %dma_wait3A_235 = arith.constant 0 : i32
      %dma_wait3A_236 = arith.constant 0 : i32
      %dma_wait3A_237 = tpu.memref_slice %arg6[%dma_wait3A_233, %dma_wait3A_235, %dma_wait3A_236] : memref<5x128x128xf32, #tpu.memory_space<vmem>> -> memref<1x128x128xf32, #tpu.memory_space<vmem>>
      %dma_wait3A_238 = tpu.memref_squeeze %dma_wait3A_237 : memref<1x128x128xf32, #tpu.memory_space<vmem>> -> memref<128x128xf32, #tpu.memory_space<vmem>>
      %dma_wait3A_239 = arith.constant 0 : i32
      %dma_wait3A_240 = tpu.memref_slice %arg5[%add3A_232, %dma_wait3A_239] : memref<200x128xi32, #tpu.memory_space<vmem>> -> memref<1x128xi32, #tpu.memory_space<vmem>>
      %dma_wait3A_241 = tpu.memref_squeeze %dma_wait3A_240 : memref<1x128xi32, #tpu.memory_space<vmem>> -> memref<128xi32, #tpu.memory_space<vmem>>
      %dma_wait3A_242 = arith.constant 0 : i32
      %dma_wait3A_243 = arith.constant 0 : i32
      %dma_wait3A_244 = tpu.memref_slice %arg2[%dma_wait3A_242, %dma_wait3A_243] : memref<1000000x128xf32, #tpu.memory_space<hbm>> -> memref<1000000x128xf32, #tpu.memory_space<hbm>>
      %dma_wait3A_245 = tpu.memref_slice %arg7[%dma_wait3A_234] : memref<5x!tpu.dma_semaphore, #tpu.memory_space<semaphore_mem>> -> memref<1x!tpu.dma_semaphore, #tpu.memory_space<semaphore_mem>>
      %dma_wait3A_246 = tpu.memref_squeeze %dma_wait3A_245 : memref<1x!tpu.dma_semaphore, #tpu.memory_space<semaphore_mem>> -> memref<!tpu.dma_semaphore, #tpu.memory_space<semaphore_mem>>
      tpu.wait_indirect_dma semaphore(%dma_wait3A_246 : memref<!tpu.dma_semaphore, #tpu.memory_space<semaphore_mem>>) src(%dma_wait3A_244 : memref<1000000x128xf32, #tpu.memory_space<hbm>>) dst(%dma_wait3A_238 : memref<128x128xf32, #tpu.memory_space<vmem>>)
      %add3A_247 = arith.addi %mul3A_2, %add3A_232 : i32
      %mul3A_248 = arith.constant 128 : i32
      %mul3A_249 = arith.muli %add3A_247, %mul3A_248 : i32
      %dma_start3A_250 = arith.constant 3 : i32
      %dma_start3A_251 = arith.constant 3 : i32
      %dma_start3A_252 = arith.constant 0 : i32
      %dma_start3A_253 = arith.constant 0 : i32
      %dma_start3A_254 = tpu.memref_slice %arg6[%dma_start3A_250, %dma_start3A_252, %dma_start3A_253] : memref<5x128x128xf32, #tpu.memory_space<vmem>> -> memref<1x128x64xf32, #tpu.memory_space<vmem>>
      %dma_start3A_255 = tpu.memref_squeeze %dma_start3A_254 : memref<1x128x64xf32, #tpu.memory_space<vmem>> -> memref<128x64xf32, #tpu.memory_space<vmem>>
      %dma_start3A_256 = arith.constant 0 : i32
      %dma_start3A_257 = tpu.memref_slice %arg4[%mul3A_249, %dma_start3A_256] : memref<819200x128xf32, #tpu.memory_space<hbm>> -> memref<128x64xf32, #tpu.memory_space<hbm>>
      %dma_start3A_258 = tpu.memref_slice %arg8[%dma_start3A_251] : memref<5x!tpu.dma_semaphore, #tpu.memory_space<semaphore_mem>> -> memref<1x!tpu.dma_semaphore, #tpu.memory_space<semaphore_mem>>
      %dma_start3A_259 = tpu.memref_squeeze %dma_start3A_258 : memref<1x!tpu.dma_semaphore, #tpu.memory_space<semaphore_mem>> -> memref<!tpu.dma_semaphore, #tpu.memory_space<semaphore_mem>>
      %dma_start3A_260 = arith.constant 0 : i32
      %dma_start3A_261 = tpu.memref_slice %arg4[%mul3A_249, %dma_start3A_260] : memref<819200x128xf32, #tpu.memory_space<hbm>> -> memref<128x64xf32, #tpu.memory_space<hbm>>
      %dma_start3A_262 = arith.constant 0 : i32
      %dma_start3A_263 = arith.constant 0 : i32
      %dma_start3A_264 = tpu.memref_slice %arg6[%dma_start3A_250, %dma_start3A_262, %dma_start3A_263] : memref<5x128x128xf32, #tpu.memory_space<vmem>> -> memref<1x128x64xf32, #tpu.memory_space<vmem>>
      %dma_start3A_265 = tpu.memref_squeeze %dma_start3A_264 : memref<1x128x64xf32, #tpu.memory_space<vmem>> -> memref<128x64xf32, #tpu.memory_space<vmem>>
      tpu.enqueue_dma source(%dma_start3A_265 : memref<128x64xf32, #tpu.memory_space<vmem>>) target(%dma_start3A_261 : memref<128x64xf32, #tpu.memory_space<hbm>>) target_semaphore(%dma_start3A_259 : memref<!tpu.dma_semaphore, #tpu.memory_space<semaphore_mem>>)
      %add3A_266 = arith.constant 3 : i32
      %add3A_267 = arith.addi %add3A_232, %add3A_266 : i32
      %ge3A_268 = arith.constant 2 : i32
      %ge3A_269 = arith.cmpi sge, %add3A_232, %ge3A_268 : i32
      %convert_element_type3A_270 = arith.extui %ge3A_269 : i1 to i32
      %cond3A_271 = arith.constant 0 : i32
      %cond3A_272 = arith.cmpi ne, %convert_element_type3A_270, %cond3A_271 : i32
      scf.if %cond3A_272 {
        %add3A_325 = arith.addi %mul3A_2, %add3A_232 : i32
        %sub3A = arith.constant 2 : i32
        %sub3A_326 = arith.subi %add3A_325, %sub3A : i32
        %mul3A_327 = arith.constant 128 : i32
        %mul3A_328 = arith.muli %sub3A_326, %mul3A_327 : i32
        %dma_wait3A_329 = arith.constant 1 : i32
        %dma_wait3A_330 = arith.constant 1 : i32
        %dma_wait3A_331 = arith.constant 0 : i32
        %dma_wait3A_332 = arith.constant 0 : i32
        %dma_wait3A_333 = tpu.memref_slice %arg6[%dma_wait3A_329, %dma_wait3A_331, %dma_wait3A_332] : memref<5x128x128xf32, #tpu.memory_space<vmem>> -> memref<1x128x64xf32, #tpu.memory_space<vmem>>
        %dma_wait3A_334 = tpu.memref_squeeze %dma_wait3A_333 : memref<1x128x64xf32, #tpu.memory_space<vmem>> -> memref<128x64xf32, #tpu.memory_space<vmem>>
        %dma_wait3A_335 = arith.constant 0 : i32
        %dma_wait3A_336 = tpu.memref_slice %arg4[%mul3A_328, %dma_wait3A_335] : memref<819200x128xf32, #tpu.memory_space<hbm>> -> memref<128x64xf32, #tpu.memory_space<hbm>>
        %dma_wait3A_337 = tpu.memref_slice %arg8[%dma_wait3A_330] : memref<5x!tpu.dma_semaphore, #tpu.memory_space<semaphore_mem>> -> memref<1x!tpu.dma_semaphore, #tpu.memory_space<semaphore_mem>>
        %dma_wait3A_338 = tpu.memref_squeeze %dma_wait3A_337 : memref<1x!tpu.dma_semaphore, #tpu.memory_space<semaphore_mem>> -> memref<!tpu.dma_semaphore, #tpu.memory_space<semaphore_mem>>
        %dma_wait3A_339 = arith.constant 0 : i32
        %dma_wait3A_340 = tpu.memref_slice %arg4[%mul3A_328, %dma_wait3A_339] : memref<819200x128xf32, #tpu.memory_space<hbm>> -> memref<128x64xf32, #tpu.memory_space<hbm>>
        %dma_wait3A_341 = arith.constant 0 : i32
        %dma_wait3A_342 = arith.constant 0 : i32
        %dma_wait3A_343 = tpu.memref_slice %arg6[%dma_wait3A_329, %dma_wait3A_341, %dma_wait3A_342] : memref<5x128x128xf32, #tpu.memory_space<vmem>> -> memref<1x128x64xf32, #tpu.memory_space<vmem>>
        %dma_wait3A_344 = tpu.memref_squeeze %dma_wait3A_343 : memref<1x128x64xf32, #tpu.memory_space<vmem>> -> memref<128x64xf32, #tpu.memory_space<vmem>>
        tpu.wait_dma2 semaphore(%dma_wait3A_338 : memref<!tpu.dma_semaphore, #tpu.memory_space<semaphore_mem>>) src(%dma_wait3A_344 : memref<128x64xf32, #tpu.memory_space<vmem>>) dst(%dma_wait3A_340 : memref<128x64xf32, #tpu.memory_space<hbm>>)
      } else {
      }
      %lt3A_273 = arith.constant 200 : i32
      %lt3A_274 = arith.cmpi slt, %add3A_267, %lt3A_273 : i32
      %convert_element_type3A_275 = arith.extui %lt3A_274 : i1 to i32
      %cond3A_276 = arith.constant 0 : i32
      %cond3A_277 = arith.cmpi ne, %convert_element_type3A_275, %cond3A_276 : i32
      scf.if %cond3A_277 {
        %dma_start3A_325 = arith.constant 1 : i32
        %dma_start3A_326 = arith.constant 1 : i32
        %dma_start3A_327 = arith.constant 0 : i32
        %dma_start3A_328 = arith.constant 0 : i32
        %dma_start3A_329 = tpu.memref_slice %arg6[%dma_start3A_325, %dma_start3A_327, %dma_start3A_328] : memref<5x128x128xf32, #tpu.memory_space<vmem>> -> memref<1x128x128xf32, #tpu.memory_space<vmem>>
        %dma_start3A_330 = tpu.memref_squeeze %dma_start3A_329 : memref<1x128x128xf32, #tpu.memory_space<vmem>> -> memref<128x128xf32, #tpu.memory_space<vmem>>
        %dma_start3A_331 = arith.constant 0 : i32
        %dma_start3A_332 = tpu.memref_slice %arg5[%add3A_267, %dma_start3A_331] : memref<200x128xi32, #tpu.memory_space<vmem>> -> memref<1x128xi32, #tpu.memory_space<vmem>>
        %dma_start3A_333 = tpu.memref_squeeze %dma_start3A_332 : memref<1x128xi32, #tpu.memory_space<vmem>> -> memref<128xi32, #tpu.memory_space<vmem>>
        %dma_start3A_334 = arith.constant 0 : i32
        %dma_start3A_335 = arith.constant 0 : i32
        %dma_start3A_336 = tpu.memref_slice %arg2[%dma_start3A_334, %dma_start3A_335] : memref<1000000x128xf32, #tpu.memory_space<hbm>> -> memref<1000000x128xf32, #tpu.memory_space<hbm>>
        %dma_start3A_337 = tpu.memref_slice %arg7[%dma_start3A_326] : memref<5x!tpu.dma_semaphore, #tpu.memory_space<semaphore_mem>> -> memref<1x!tpu.dma_semaphore, #tpu.memory_space<semaphore_mem>>
        %dma_start3A_338 = tpu.memref_squeeze %dma_start3A_337 : memref<1x!tpu.dma_semaphore, #tpu.memory_space<semaphore_mem>> -> memref<!tpu.dma_semaphore, #tpu.memory_space<semaphore_mem>>
        tpu.enqueue_indirect_dma source(%dma_start3A_336 : memref<1000000x128xf32, #tpu.memory_space<hbm>>) target(%dma_start3A_330 : memref<128x128xf32, #tpu.memory_space<vmem>>) offsets(%dma_start3A_333 : memref<128xi32, #tpu.memory_space<vmem>>) semaphore(%dma_start3A_338 : memref<!tpu.dma_semaphore, #tpu.memory_space<semaphore_mem>>)
      } else {
      }
      %add3A_278 = arith.constant 4 : i32
      %add3A_279 = arith.addi %mul3A_93, %add3A_278 : i32
      %dma_wait3A_280 = arith.constant 4 : i32
      %dma_wait3A_281 = arith.constant 4 : i32
      %dma_wait3A_282 = arith.constant 0 : i32
      %dma_wait3A_283 = arith.constant 0 : i32
      %dma_wait3A_284 = tpu.memref_slice %arg6[%dma_wait3A_280, %dma_wait3A_282, %dma_wait3A_283] : memref<5x128x128xf32, #tpu.memory_space<vmem>> -> memref<1x128x128xf32, #tpu.memory_space<vmem>>
      %dma_wait3A_285 = tpu.memref_squeeze %dma_wait3A_284 : memref<1x128x128xf32, #tpu.memory_space<vmem>> -> memref<128x128xf32, #tpu.memory_space<vmem>>
      %dma_wait3A_286 = arith.constant 0 : i32
      %dma_wait3A_287 = tpu.memref_slice %arg5[%add3A_279, %dma_wait3A_286] : memref<200x128xi32, #tpu.memory_space<vmem>> -> memref<1x128xi32, #tpu.memory_space<vmem>>
      %dma_wait3A_288 = tpu.memref_squeeze %dma_wait3A_287 : memref<1x128xi32, #tpu.memory_space<vmem>> -> memref<128xi32, #tpu.memory_space<vmem>>
      %dma_wait3A_289 = arith.constant 0 : i32
      %dma_wait3A_290 = arith.constant 0 : i32
      %dma_wait3A_291 = tpu.memref_slice %arg2[%dma_wait3A_289, %dma_wait3A_290] : memref<1000000x128xf32, #tpu.memory_space<hbm>> -> memref<1000000x128xf32, #tpu.memory_space<hbm>>
      %dma_wait3A_292 = tpu.memref_slice %arg7[%dma_wait3A_281] : memref<5x!tpu.dma_semaphore, #tpu.memory_space<semaphore_mem>> -> memref<1x!tpu.dma_semaphore, #tpu.memory_space<semaphore_mem>>
      %dma_wait3A_293 = tpu.memref_squeeze %dma_wait3A_292 : memref<1x!tpu.dma_semaphore, #tpu.memory_space<semaphore_mem>> -> memref<!tpu.dma_semaphore, #tpu.memory_space<semaphore_mem>>
      tpu.wait_indirect_dma semaphore(%dma_wait3A_293 : memref<!tpu.dma_semaphore, #tpu.memory_space<semaphore_mem>>) src(%dma_wait3A_291 : memref<1000000x128xf32, #tpu.memory_space<hbm>>) dst(%dma_wait3A_285 : memref<128x128xf32, #tpu.memory_space<vmem>>)
      %add3A_294 = arith.addi %mul3A_2, %add3A_279 : i32
      %mul3A_295 = arith.constant 128 : i32
      %mul3A_296 = arith.muli %add3A_294, %mul3A_295 : i32
      %dma_start3A_297 = arith.constant 4 : i32
      %dma_start3A_298 = arith.constant 4 : i32
      %dma_start3A_299 = arith.constant 0 : i32
      %dma_start3A_300 = arith.constant 0 : i32
      %dma_start3A_301 = tpu.memref_slice %arg6[%dma_start3A_297, %dma_start3A_299, %dma_start3A_300] : memref<5x128x128xf32, #tpu.memory_space<vmem>> -> memref<1x128x64xf32, #tpu.memory_space<vmem>>
      %dma_start3A_302 = tpu.memref_squeeze %dma_start3A_301 : memref<1x128x64xf32, #tpu.memory_space<vmem>> -> memref<128x64xf32, #tpu.memory_space<vmem>>
      %dma_start3A_303 = arith.constant 0 : i32
      %dma_start3A_304 = tpu.memref_slice %arg4[%mul3A_296, %dma_start3A_303] : memref<819200x128xf32, #tpu.memory_space<hbm>> -> memref<128x64xf32, #tpu.memory_space<hbm>>
      %dma_start3A_305 = tpu.memref_slice %arg8[%dma_start3A_298] : memref<5x!tpu.dma_semaphore, #tpu.memory_space<semaphore_mem>> -> memref<1x!tpu.dma_semaphore, #tpu.memory_space<semaphore_mem>>
      %dma_start3A_306 = tpu.memref_squeeze %dma_start3A_305 : memref<1x!tpu.dma_semaphore, #tpu.memory_space<semaphore_mem>> -> memref<!tpu.dma_semaphore, #tpu.memory_space<semaphore_mem>>
      %dma_start3A_307 = arith.constant 0 : i32
      %dma_start3A_308 = tpu.memref_slice %arg4[%mul3A_296, %dma_start3A_307] : memref<819200x128xf32, #tpu.memory_space<hbm>> -> memref<128x64xf32, #tpu.memory_space<hbm>>
      %dma_start3A_309 = arith.constant 0 : i32
      %dma_start3A_310 = arith.constant 0 : i32
      %dma_start3A_311 = tpu.memref_slice %arg6[%dma_start3A_297, %dma_start3A_309, %dma_start3A_310] : memref<5x128x128xf32, #tpu.memory_space<vmem>> -> memref<1x128x64xf32, #tpu.memory_space<vmem>>
      %dma_start3A_312 = tpu.memref_squeeze %dma_start3A_311 : memref<1x128x64xf32, #tpu.memory_space<vmem>> -> memref<128x64xf32, #tpu.memory_space<vmem>>
      tpu.enqueue_dma source(%dma_start3A_312 : memref<128x64xf32, #tpu.memory_space<vmem>>) target(%dma_start3A_308 : memref<128x64xf32, #tpu.memory_space<hbm>>) target_semaphore(%dma_start3A_306 : memref<!tpu.dma_semaphore, #tpu.memory_space<semaphore_mem>>)
      %add3A_313 = arith.constant 3 : i32
      %add3A_314 = arith.addi %add3A_279, %add3A_313 : i32
      %ge3A_315 = arith.constant 2 : i32
      %ge3A_316 = arith.cmpi sge, %add3A_279, %ge3A_315 : i32
      %convert_element_type3A_317 = arith.extui %ge3A_316 : i1 to i32
      %cond3A_318 = arith.constant 0 : i32
      %cond3A_319 = arith.cmpi ne, %convert_element_type3A_317, %cond3A_318 : i32
      scf.if %cond3A_319 {
        %add3A_325 = arith.addi %mul3A_2, %add3A_279 : i32
        %sub3A = arith.constant 2 : i32
        %sub3A_326 = arith.subi %add3A_325, %sub3A : i32
        %mul3A_327 = arith.constant 128 : i32
        %mul3A_328 = arith.muli %sub3A_326, %mul3A_327 : i32
        %dma_wait3A_329 = arith.constant 2 : i32
        %dma_wait3A_330 = arith.constant 2 : i32
        %dma_wait3A_331 = arith.constant 0 : i32
        %dma_wait3A_332 = arith.constant 0 : i32
        %dma_wait3A_333 = tpu.memref_slice %arg6[%dma_wait3A_329, %dma_wait3A_331, %dma_wait3A_332] : memref<5x128x128xf32, #tpu.memory_space<vmem>> -> memref<1x128x64xf32, #tpu.memory_space<vmem>>
        %dma_wait3A_334 = tpu.memref_squeeze %dma_wait3A_333 : memref<1x128x64xf32, #tpu.memory_space<vmem>> -> memref<128x64xf32, #tpu.memory_space<vmem>>
        %dma_wait3A_335 = arith.constant 0 : i32
        %dma_wait3A_336 = tpu.memref_slice %arg4[%mul3A_328, %dma_wait3A_335] : memref<819200x128xf32, #tpu.memory_space<hbm>> -> memref<128x64xf32, #tpu.memory_space<hbm>>
        %dma_wait3A_337 = tpu.memref_slice %arg8[%dma_wait3A_330] : memref<5x!tpu.dma_semaphore, #tpu.memory_space<semaphore_mem>> -> memref<1x!tpu.dma_semaphore, #tpu.memory_space<semaphore_mem>>
        %dma_wait3A_338 = tpu.memref_squeeze %dma_wait3A_337 : memref<1x!tpu.dma_semaphore, #tpu.memory_space<semaphore_mem>> -> memref<!tpu.dma_semaphore, #tpu.memory_space<semaphore_mem>>
        %dma_wait3A_339 = arith.constant 0 : i32
        %dma_wait3A_340 = tpu.memref_slice %arg4[%mul3A_328, %dma_wait3A_339] : memref<819200x128xf32, #tpu.memory_space<hbm>> -> memref<128x64xf32, #tpu.memory_space<hbm>>
        %dma_wait3A_341 = arith.constant 0 : i32
        %dma_wait3A_342 = arith.constant 0 : i32
        %dma_wait3A_343 = tpu.memref_slice %arg6[%dma_wait3A_329, %dma_wait3A_341, %dma_wait3A_342] : memref<5x128x128xf32, #tpu.memory_space<vmem>> -> memref<1x128x64xf32, #tpu.memory_space<vmem>>
        %dma_wait3A_344 = tpu.memref_squeeze %dma_wait3A_343 : memref<1x128x64xf32, #tpu.memory_space<vmem>> -> memref<128x64xf32, #tpu.memory_space<vmem>>
        tpu.wait_dma2 semaphore(%dma_wait3A_338 : memref<!tpu.dma_semaphore, #tpu.memory_space<semaphore_mem>>) src(%dma_wait3A_344 : memref<128x64xf32, #tpu.memory_space<vmem>>) dst(%dma_wait3A_340 : memref<128x64xf32, #tpu.memory_space<hbm>>)
      } else {
      }
      %lt3A_320 = arith.constant 200 : i32
      %lt3A_321 = arith.cmpi slt, %add3A_314, %lt3A_320 : i32
      %convert_element_type3A_322 = arith.extui %lt3A_321 : i1 to i32
      %cond3A_323 = arith.constant 0 : i32
      %cond3A_324 = arith.cmpi ne, %convert_element_type3A_322, %cond3A_323 : i32
      scf.if %cond3A_324 {
        %dma_start3A_325 = arith.constant 2 : i32
        %dma_start3A_326 = arith.constant 2 : i32
        %dma_start3A_327 = arith.constant 0 : i32
        %dma_start3A_328 = arith.constant 0 : i32
        %dma_start3A_329 = tpu.memref_slice %arg6[%dma_start3A_325, %dma_start3A_327, %dma_start3A_328] : memref<5x128x128xf32, #tpu.memory_space<vmem>> -> memref<1x128x128xf32, #tpu.memory_space<vmem>>
        %dma_start3A_330 = tpu.memref_squeeze %dma_start3A_329 : memref<1x128x128xf32, #tpu.memory_space<vmem>> -> memref<128x128xf32, #tpu.memory_space<vmem>>
        %dma_start3A_331 = arith.constant 0 : i32
        %dma_start3A_332 = tpu.memref_slice %arg5[%add3A_314, %dma_start3A_331] : memref<200x128xi32, #tpu.memory_space<vmem>> -> memref<1x128xi32, #tpu.memory_space<vmem>>
        %dma_start3A_333 = tpu.memref_squeeze %dma_start3A_332 : memref<1x128xi32, #tpu.memory_space<vmem>> -> memref<128xi32, #tpu.memory_space<vmem>>
        %dma_start3A_334 = arith.constant 0 : i32
        %dma_start3A_335 = arith.constant 0 : i32
        %dma_start3A_336 = tpu.memref_slice %arg2[%dma_start3A_334, %dma_start3A_335] : memref<1000000x128xf32, #tpu.memory_space<hbm>> -> memref<1000000x128xf32, #tpu.memory_space<hbm>>
        %dma_start3A_337 = tpu.memref_slice %arg7[%dma_start3A_326] : memref<5x!tpu.dma_semaphore, #tpu.memory_space<semaphore_mem>> -> memref<1x!tpu.dma_semaphore, #tpu.memory_space<semaphore_mem>>
        %dma_start3A_338 = tpu.memref_squeeze %dma_start3A_337 : memref<1x!tpu.dma_semaphore, #tpu.memory_space<semaphore_mem>> -> memref<!tpu.dma_semaphore, #tpu.memory_space<semaphore_mem>>
        tpu.enqueue_indirect_dma source(%dma_start3A_336 : memref<1000000x128xf32, #tpu.memory_space<hbm>>) target(%dma_start3A_330 : memref<128x128xf32, #tpu.memory_space<vmem>>) offsets(%dma_start3A_333 : memref<128xi32, #tpu.memory_space<vmem>>) semaphore(%dma_start3A_338 : memref<!tpu.dma_semaphore, #tpu.memory_space<semaphore_mem>>)
      } else {
      }
    }
    %scan3A_51 = arith.constant 40 : i32
    %add3A_52 = arith.constant 198 : i32
    %add3A_53 = arith.addi %mul3A_2, %add3A_52 : i32
    %mul3A_54 = arith.constant 128 : i32
    %mul3A_55 = arith.muli %add3A_53, %mul3A_54 : i32
    %dma_wait3A = arith.constant 3 : i32
    %dma_wait3A_56 = arith.constant 3 : i32
    %dma_wait3A_57 = arith.constant 0 : i32
    %dma_wait3A_58 = arith.constant 0 : i32
    %dma_wait3A_59 = tpu.memref_slice %arg6[%dma_wait3A, %dma_wait3A_57, %dma_wait3A_58] : memref<5x128x128xf32, #tpu.memory_space<vmem>> -> memref<1x128x64xf32, #tpu.memory_space<vmem>>
    %dma_wait3A_60 = tpu.memref_squeeze %dma_wait3A_59 : memref<1x128x64xf32, #tpu.memory_space<vmem>> -> memref<128x64xf32, #tpu.memory_space<vmem>>
    %dma_wait3A_61 = arith.constant 0 : i32
    %dma_wait3A_62 = tpu.memref_slice %arg4[%mul3A_55, %dma_wait3A_61] : memref<819200x128xf32, #tpu.memory_space<hbm>> -> memref<128x64xf32, #tpu.memory_space<hbm>>
    %dma_wait3A_63 = tpu.memref_slice %arg8[%dma_wait3A_56] : memref<5x!tpu.dma_semaphore, #tpu.memory_space<semaphore_mem>> -> memref<1x!tpu.dma_semaphore, #tpu.memory_space<semaphore_mem>>
    %dma_wait3A_64 = tpu.memref_squeeze %dma_wait3A_63 : memref<1x!tpu.dma_semaphore, #tpu.memory_space<semaphore_mem>> -> memref<!tpu.dma_semaphore, #tpu.memory_space<semaphore_mem>>
    %dma_wait3A_65 = arith.constant 0 : i32
    %dma_wait3A_66 = tpu.memref_slice %arg4[%mul3A_55, %dma_wait3A_65] : memref<819200x128xf32, #tpu.memory_space<hbm>> -> memref<128x64xf32, #tpu.memory_space<hbm>>
    %dma_wait3A_67 = arith.constant 0 : i32
    %dma_wait3A_68 = arith.constant 0 : i32
    %dma_wait3A_69 = tpu.memref_slice %arg6[%dma_wait3A, %dma_wait3A_67, %dma_wait3A_68] : memref<5x128x128xf32, #tpu.memory_space<vmem>> -> memref<1x128x64xf32, #tpu.memory_space<vmem>>
    %dma_wait3A_70 = tpu.memref_squeeze %dma_wait3A_69 : memref<1x128x64xf32, #tpu.memory_space<vmem>> -> memref<128x64xf32, #tpu.memory_space<vmem>>
    tpu.wait_dma2 semaphore(%dma_wait3A_64 : memref<!tpu.dma_semaphore, #tpu.memory_space<semaphore_mem>>) src(%dma_wait3A_70 : memref<128x64xf32, #tpu.memory_space<vmem>>) dst(%dma_wait3A_66 : memref<128x64xf32, #tpu.memory_space<hbm>>)
    %add3A_71 = arith.constant 199 : i32
    %add3A_72 = arith.addi %mul3A_2, %add3A_71 : i32
    %mul3A_73 = arith.constant 128 : i32
    %mul3A_74 = arith.muli %add3A_72, %mul3A_73 : i32
    %dma_wait3A_75 = arith.constant 4 : i32
    %dma_wait3A_76 = arith.constant 4 : i32
    %dma_wait3A_77 = arith.constant 0 : i32
    %dma_wait3A_78 = arith.constant 0 : i32
    %dma_wait3A_79 = tpu.memref_slice %arg6[%dma_wait3A_75, %dma_wait3A_77, %dma_wait3A_78] : memref<5x128x128xf32, #tpu.memory_space<vmem>> -> memref<1x128x64xf32, #tpu.memory_space<vmem>>
    %dma_wait3A_80 = tpu.memref_squeeze %dma_wait3A_79 : memref<1x128x64xf32, #tpu.memory_space<vmem>> -> memref<128x64xf32, #tpu.memory_space<vmem>>
    %dma_wait3A_81 = arith.constant 0 : i32
    %dma_wait3A_82 = tpu.memref_slice %arg4[%mul3A_74, %dma_wait3A_81] : memref<819200x128xf32, #tpu.memory_space<hbm>> -> memref<128x64xf32, #tpu.memory_space<hbm>>
    %dma_wait3A_83 = tpu.memref_slice %arg8[%dma_wait3A_76] : memref<5x!tpu.dma_semaphore, #tpu.memory_space<semaphore_mem>> -> memref<1x!tpu.dma_semaphore, #tpu.memory_space<semaphore_mem>>
    %dma_wait3A_84 = tpu.memref_squeeze %dma_wait3A_83 : memref<1x!tpu.dma_semaphore, #tpu.memory_space<semaphore_mem>> -> memref<!tpu.dma_semaphore, #tpu.memory_space<semaphore_mem>>
    %dma_wait3A_85 = arith.constant 0 : i32
    %dma_wait3A_86 = tpu.memref_slice %arg4[%mul3A_74, %dma_wait3A_85] : memref<819200x128xf32, #tpu.memory_space<hbm>> -> memref<128x64xf32, #tpu.memory_space<hbm>>
    %dma_wait3A_87 = arith.constant 0 : i32
    %dma_wait3A_88 = arith.constant 0 : i32
    %dma_wait3A_89 = tpu.memref_slice %arg6[%dma_wait3A_75, %dma_wait3A_87, %dma_wait3A_88] : memref<5x128x128xf32, #tpu.memory_space<vmem>> -> memref<1x128x64xf32, #tpu.memory_space<vmem>>
    %dma_wait3A_90 = tpu.memref_squeeze %dma_wait3A_89 : memref<1x128x64xf32, #tpu.memory_space<vmem>> -> memref<128x64xf32, #tpu.memory_space<vmem>>
    tpu.wait_dma2 semaphore(%dma_wait3A_84 : memref<!tpu.dma_semaphore, #tpu.memory_space<semaphore_mem>>) src(%dma_wait3A_90 : memref<128x64xf32, #tpu.memory_space<vmem>>) dst(%dma_wait3A_86 : memref<128x64xf32, #tpu.memory_space<hbm>>)
    return
  }
}

</mosaic_0001>

<sc_bundles>
// kernel: kernel.3.cloned.1.call-start
scs
__scs_entry_jumppad:
0x0: {  	(pc) =	sbr.rel $0x88, $3  }
0x1: {  	(tag) =	ssettag $0x0;
	lr =	simm.s32 $0x1  }
0x2: {  	[smem:$0x3F9F] =	sst lr;
	_ =	strace $0xD0000000  }
0x3: {  	_ = 	snop  }
0x4: {  	_ = 	snop  }
0x5: {  	_ = 	snop  }
0x6: {  	_ = 	snop  }
0x7: {  	_ = 	snop  }
__scs_overlays_trampoline_lowered:
0x8: {  	[smem:$0x3FAE] =	sst s0  }
0x9: {  	[smem:$0x3FAF] =	sst s1  }
0xa: {  	[smem:$0x3FB0] =	sst s2  }
0xb: {  	[smem:$0x3FB1] =	sst s3  }
0xc: {  	[smem:$0x3FB2] =	sst s4  }
0xd: {  	[smem:$0x3FB3] =	sst s5  }
0xe: {  	[smem:$0x3FB4] =	sst s6  }
0xf: {  	[smem:$0x3FB5] =	sst s7  }
0x10: {  	[smem:$0x3FB6] =	sst s8  }
0x11: {  	[smem:$0x3FB7] =	sst s9;
	s0 =	simm.s32 @!p0 $0x0  }
0x12: {  	s1 =	sld [smem:$0x3F9D];
	s0 =	simm.s32 @p0 $0x1  }
0x13: {  	[smem:$0x3FB8] =	sst s0;
	s0 =	simm.s32 @!p1 $0x0  }
0x14: {  	s2 =	sld [smem:$0x3F9C];
	s0 =	simm.s32 @p1 $0x1  }
0x15: {  	[smem:$0x3FB9] =	sst s0;
	s0 =	simm.s32 @!p2 $0x0  }
0x16: {  	s3 =	sld [smem:$0x3FDB];
	s0 =	simm.s32 @p2 $0x1  }
0x17: {  	s4 =	simm.s32 $0x1BF5;
	[smem:$0x3FBB] =	sst s0  }
0x18: {  	s0 =	sld [smem:$0x3F9E];
	_ =	swait.ge [sflag:s4], $0x0  }
0x19: {  	s7 =	sld [smem:$0x3F9F]  }
0x1a: {  	s8 =	sadd.s32 $0xFFFFE003, lr  }
0x1b: {  	s9 =	sadd.s32 $0xFFFFFEF7, lr;
	s5 =	simm.s32 $0xFFFFFFFF;
	p2 =	slt.u32 s8, $0xFFFFF086  }
0x1c: {  	p1 =	slt.u32 s9, $0xF7A;
	s5 =	simm.s32 @!p2 $0x0  }
0x1d: {  	s5 =	simm.s32 @p1 $0x1;
	p0 =	seq.s32 s7, s2  }
0x1e: {  	s7 =	smul.u32 @!p0 $0xF7A, s2;
	p2 =	seq.s32 @!p0 s5, $0x0  }
0x1f: {  	s9 =	smul.u32 $0xF7A, s1;
	s8 =	simm.s32 @!p0 $0x1BF5;
	p2 =	por !p2, p0  }
0x20: {  	[sflag:s8] =	ssyncset.s32 @!p0 $0xFFFFF086;
	s6 =	sadd.s32 @!p0 s3, s7;
	s7 =	simm.s32 @!p0 $0x108  }
0x21: {  	s3 =	sadd.s32 s3, s9;
	s6 =	sadd.s32 @!p0 $0x88, s6;
	s7 =	simm.s32 @p2 $0x1082  }
0x22: {  	[simem:s7], [sflag:s8] =	dma.local @!p0 [hbm:s6], $0xF7A  }
0x23: {  	s9 =	sor.u32 $0xD0000000, s2;
	s6 =	simm.s32 $0x108;
	_ =	swait.ge @!p0 [sflag:s8], $0x0  }
0x24: {  	s3 =	sadd.s32 $0x88, s3;
	s6 =	simm.s32 @!p1 $0x1082;
	[sflag:s4] =	ssyncset.s32 $0xFFFFF086  }
0x25: {  	[simem:s6], [sflag:s4] =	dma.local [hbm:s3], $0xF7A  }
0x26: {  	[smem:$0x3F9F] =	sst s1;
	(tag) =	ssettag s2;
	_ =	strace s9  }
0x27: {  	s1 =	sld [smem:$0x3FAF]  }
0x28: {  	s2 =	sld [smem:$0x3FB0]  }
0x29: {  	s4 =	sld [smem:$0x3FB2]  }
0x2a: {  	p0 =	seq.s32 s5, $0x0;
	s5 =	sld [smem:$0x3FB3]  }
0x2b: {  	s6 =	sld [smem:$0x3FB4]  }
0x2c: {  	s7 =	sld [smem:$0x3FB5]  }
0x2d: {  	s3 =	simm.s32 $0x108;
	s8 =	sld [smem:$0x3FB6]  }
0x2e: {  	s3 =	simm.s32 @!p0 $0x1082;
	s9 =	sld [smem:$0x3FB7]  }
0x2f: {  	lr =	sadd.s32 s0, s3;
	s0 =	sld [smem:$0x3FAE]  }
0x30: {  	s3 =	sld [smem:$0x3FB1]  }
0x31: {  	[smem:$0x3FBA] =	sst s10  }
0x32: {  	s10 =	sld [smem:$0x3FB8];
	_ =	sdelay $0x3  }
0x33: {  	p0 =	seq.s32 s10, $0x1;
	s10 =	sld [smem:$0x3FBA];
	_ =	sdelay $0x3  }
0x34: {  	[smem:$0x3FBA] =	sst s10  }
0x35: {  	s10 =	sld [smem:$0x3FB9];
	_ =	sdelay $0x3  }
0x36: {  	p1 =	seq.s32 s10, $0x1;
	s10 =	sld [smem:$0x3FBA];
	_ =	sdelay $0x3  }
0x37: {  	[smem:$0x3FBA] =	sst s10  }
0x38: {  	s10 =	sld [smem:$0x3FBB]  }
0x39: {  	_ = 	snop;
	(pc) =	sbr.ind lr, $3  }
0x3a: {  	_ = 	snop  }
0x3b: {  	_ = 	snop  }
0x3c: {  	p2 =	seq.s32 s10, $0x1;
	s10 =	sld [smem:$0x3FBA]  }
0x3d: {  	_ =	shalt  }
0x3e: {  	_ =	shalt  }
0x3f: {  	_ =	shalt  }
0x40: {  	_ =	shalt  }
0x41: {  	_ =	shalt  }
0x42: {  	_ =	shalt  }
0x43: {  	_ =	shalt  }
0x44: {  	_ =	shalt  }
0x45: {  	_ =	shalt  }
0x46: {  	_ =	shalt  }
0x47: {  	_ =	shalt  }
0x48: {  	_ =	shalt  }
0x49: {  	_ =	shalt  }
0x4a: {  	_ =	shalt  }
0x4b: {  	_ =	shalt  }
0x4c: {  	_ =	shalt  }
0x4d: {  	_ =	shalt  }
0x4e: {  	_ =	shalt  }
0x4f: {  	_ =	shalt  }
0x50: {  	_ =	shalt  }
0x51: {  	_ =	shalt  }
0x52: {  	_ =	shalt  }
0x53: {  	_ =	shalt  }
0x54: {  	_ =	shalt  }
0x55: {  	_ =	shalt  }
0x56: {  	_ =	shalt  }
0x57: {  	_ =	shalt  }
0x58: {  	_ =	shalt  }
0x59: {  	_ =	shalt  }
0x5a: {  	_ =	shalt  }
0x5b: {  	_ =	shalt  }
0x5c: {  	_ =	shalt  }
0x5d: {  	_ =	shalt  }
0x5e: {  	_ =	shalt  }
0x5f: {  	_ =	shalt  }
0x60: {  	_ =	shalt  }
0x61: {  	_ =	shalt  }
0x62: {  	_ =	shalt  }
0x63: {  	_ =	shalt  }
0x64: {  	_ =	shalt  }
0x65: {  	_ =	shalt  }
0x66: {  	_ =	shalt  }
0x67: {  	_ =	shalt  }
0x68: {  	_ =	shalt  }
0x69: {  	_ =	shalt  }
0x6a: {  	_ =	shalt  }
0x6b: {  	_ =	shalt  }
0x6c: {  	_ =	shalt  }
0x6d: {  	_ =	shalt  }
0x6e: {  	_ =	shalt  }
0x6f: {  	_ =	shalt  }
0x70: {  	_ =	shalt  }
0x71: {  	_ =	shalt  }
0x72: {  	_ =	shalt  }
0x73: {  	_ =	shalt  }
0x74: {  	_ =	shalt  }
0x75: {  	_ =	shalt  }
0x76: {  	_ =	shalt  }
0x77: {  	_ =	shalt  }
0x78: {  	_ =	shalt  }
0x79: {  	_ =	shalt  }
0x7a: {  	_ =	shalt  }
0x7b: {  	_ =	shalt  }
0x7c: {  	_ =	shalt  }
0x7d: {  	_ =	shalt  }
0x7e: {  	_ =	shalt  }
0x7f: {  	_ =	shalt  }
0x80: {  	_ =	shalt  }
0x81: {  	_ =	shalt  }
0x82: {  	_ =	shalt  }
0x83: {  	_ =	shalt  }
0x84: {  	_ =	shalt  }
0x85: {  	_ =	shalt  }
0x86: {  	_ =	shalt  }
0x87: {  	_ =	shalt  }
.Lfunc_end0:
.L_simem_size_0:
called_computation.1_lowered:
.L_overlay_start_0:
0x88: {  	s2 =	sld [smem:$0x3FD9]  }
0x89: {  	s3 =	sld [smem:$0x3FFE];
	_ =	sdelay $0x1  }
0x8a: {  	s1 =	srdreg.scid  }
0x8b: {  	s0 =	sand.u32 $0x1, s1  }
0x8c: {  	s17 =	sshll.u32 s0, $0xA;
	s2 =	sadd.s32 s3, s2  }
0x8d: {  	s2 =	sadd.s32 s2, s17  }
0x8e: {  	[smem:$0x3FC6] =	sst s2  }
0x8f: {  	_ = 	snop  }
0x90: {  	s2 =	sld [smem:$0x3FD0];
	(tm) =	ssettm $0x1  }
0x91: {  	s18 =	sld [smem:$0x3FFB];
	_ =	sdelay $0x3  }
0x92: {  	_ =	strace s18  }
0x93: {  	s3 =	sld [smem:$0x3FFC];
	_ =	sdelay $0x3  }
0x94: {  	_ =	strace s3  }
0x95: {  	s3 =	sld [smem:$0x3FFD];
	_ =	sdelay $0x3  }
0x96: {  	_ =	strace s3  }
0x97: {  	_ =	strace $0x8FFFFFFF  }
0x98: {  	s19 =	sld [smem:$0x3FDB];
	_ =	sdelay $0x1  }
0x99: {  	s4 =	simm.s32 $_scs_section_size  }
0x9a: {  	s5 =	simm.s32 $_size__tile_overlayer_lowered;
	s6 =	simm.s32 $_tile_overlayer_lowered  }
0x9b: {  	s22 =	simm.s32 $0x1BFF;
	s21 =	sshll.u32 s6, $0x1;
	s3 =	sadd.s32 s4, s19  }
0x9c: {  	s7 =	simm.s32 $0x0;
	s20 =	sshll.u32 s5, $0x1;
	s5 =	sadd.s32 s21, s3  }
0x9d: {  	[timem:s7], [sflag:s22] =	dma.local [hbm:s5], s20  }
0x9e: {  	_ =	swait.ge [sflag:s22], s20  }
0x9f: {  	s4 =	ssub.s32 $0x0, s20;
	[sflag:s22] =	ssyncset.done $0x0  }
0xa0: {  	[sflag:s22] =	ssyncadd.s32 s4;
	_ =	sdelay $0x1  }
0xa1: {  	s23 =	simm.s32 $0x1B8B  }
0xa2: {  	_ =	swait.ge [sflag:s23], $0x1  }
0xa3: {  	[sflag:s23] =	ssyncset.done $0x0  }
0xa4: {  	s25 =	simm.s32 $0x1B8E;
	s24 =	sld [smem:$0x3FFE];
	[sflag:s23] =	ssyncadd.s32 $0xFFFFFFFF  }
0xa5: {  	s26 =	simm.s32 $execute0_lowered;
	[smem:$0x3FD2] =	sst s25  }
0xa6: {  	s5 =	sshll.u32 s26, $0x1;
	_ =	strace $0x80000046;
	[dreg:$0x1] =	wrdreg $0xFFFFFFFF  }
0xa7: {  	s28 =	simm.s32 $_size_execute0_lowered;
	s3 =	sadd.s32 s3, s5;
	[dreg:$0x0] =	wrdreg $0x0  }
0xa8: {  	s5 =	sshll.u32 s28, $0x1;
	[dreg:$0x2] =	wrdreg s3  }
0xa9: {  	[dreg:$0x3] =	wrdreg s5  }
0xaa: {  	[dreg:$0x4] =	wrdreg $0xC0  }
0xab: {  	_ =	task [dreg:s7], $0x5FFFF  }
0xac: {  	[dreg:$0x1] =	wrdreg $0xFFFFFFFF  }
0xad: {  	[dreg:$0x0] =	wrdreg $0x60  }
0xae: {  	[dreg:$0x2] =	wrdreg s24  }
0xaf: {  	[dreg:$0x3] =	wrdreg s2  }
0xb0: {  	[dreg:$0x4] =	wrdreg $0x9  }
0xb1: {  	_ =	task.clear_ibuf [dreg:s7], $0x5FFFF;
	_ =	strace $0x90000046  }
0xb2: {  	s29 =	simm.s32 $0x9;
	_ =	strace $0x80000048  }
0xb3: {  	_ =	swait.ge [sflag:s29], $0x1  }
0xb4: {  	[sflag:s29] =	ssyncadd.s32 $0xFFFFFFFF  }
0xb5: {  	_ =	strace $0x90000048  }
0xb6: {  	_ =	sfence  }
0xb7: {  	s30 =	sld [smem:$0x0];
	_ =	sdelay $0x2  }
0xb8: {  	s31 =	sshll.u32 s1, $0xD;
	s1 =	sshrl.u32 s1, $0x2  }
0xb9: {  	s3 =	sand.u32 $0x4000, s31;
	s1 =	sadd.s32 s1, s30  }
0xba: {  	s0 =	sor.u32 s3, s0;
	s1 =	sshll.u32 s1, $0x11  }
0xbb: {  	s0 =	sor.u32 s1, s0  }
0xbc: {  	s0 =	sadd.s32 $0x8F2B, s0  }
0xbd: {  	[sflag:s0] =	ssyncadd.remote.s32 $0x1  }
0xbe: {  	_ =	sfence.sel $0xFFFF  }
0xbf: {  	[dreg:$0x0] =	wrdreg $0xFFFFFFFF;
	(pc) =	sbr.abs _section_cstart, $3  }
0xc0: {  	[dreg:$0x1] =	wrdreg $0xFFFFFFFF  }
0xc1: {  	_ =	task.clear_ibuf [dreg:s7], $0x2FFFF;
	_ =	strace $0x9FFFFFFF  }
0xc2: {  	(tm) =	ssettm $0x7FFFFFFF  }
0xc3: {  	_ =	shalt  }
tec
execute0_lowered:
.L_overlay_start_1:
0x0: {  	(tag) =	ssettag $0x1  }
0x1: {  	s0 =	rddreg [dreg:$0x0]  }
0x2: {  	s1 =	srdreg.scid;
	s2 =	stileid.u32  }
0x3: {  	s6 =	rddreg [dreg:$0x1];
	s10 =	simm.s32 $0xB;
	s11 =	simm.s32 $0x80  }
0x4: {  	s15 =	simm.s32 $0xE400;
	s16 =	simm.s32 $0x1;
	s17 =	simm.s32 $0x12400  }
0x5: {  	s18 =	simm.s32 $0x2;
	s19 =	simm.s32 $0x16400;
	s20 =	simm.s32 $0x3  }
0x6: {  	s21 =	simm.s32 $0x6;
	s22 =	simm.s32 $0x4;
	s23 =	simm.s32 $0x7  }
0x7: {  	s24 =	simm.s32 $0x5;
	s1 =	sand.u32 $0x1, s1;
	s3 =	sshll.u32 s2, $0x1  }
0x8: {  	s25 =	simm.s32 $0x8;
	s26 =	simm.s32 $0x9;
	s4 =	sor.u32 s1, s3  }
0x9: {  	s28 =	simm.s32 $0xA;
	s29 =	simm.s32 $0x0;
	s3 =	smul.u32 $0xC8, s4  }
.Ltmp0:
0xa: {  	s2 =	simm.s32 $0x0;
	s5 =	sadd.s32 $0xA00, s0;
	(pc) =	sbr.rel .LBB2_1-.Ltmp0, $4  }
0xb: {  	[smem:$0x7FF] =	sst s2;
	s1 =	ssub.s32 $0x2, s1;
	s7 =	smul.u32 $0xC80, s4  }
0xc: {  	_ =	strace $0x80000047;
	s4 =	sadd.s32 $0xF42E00, s0;
	s30 =	sshrl.u32 s1, $0x1  }
0xd: {  	s0 =	ssub.s32 s1, s30;
	s31 =	sadd.s32 s6, s7;
	s7 =	sor.u32 $0x1, s3  }
0xe: {  	s8 =	sor.u32 $0x2, s3;
	s9 =	smax.u32 s0, $0x1;
	[dreg:$0x3] =	wrdreg s31  }
.LBB2_14:
0xf: {  	s29 =	sadd.s32 $0x1, s29  }
0x10: {  	_ =	swait.ge [sflag:s26], $0x2000;
	p0 =	sne.s32 s29, s9  }
.Ltmp1:
0x11: {  	[sflag:s26] =	ssyncset.done $0x0;
	(pc) =	sbr.rel @!p0 .LBB2_15-.Ltmp1, $4  }
0x12: {  	[sflag:s26] =	ssyncadd.s32 $0xFFFFE000  }
0x13: {  	_ =	swait.ge [sflag:s28], $0x2000  }
0x14: {  	[sflag:s28] =	ssyncset.done $0x0  }
0x15: {  	[sflag:s28] =	ssyncadd.s32 $0xFFFFE000  }
.LBB2_1:
0x16: {  	s0 =	rddreg [dreg:$0x3]  }
0x17: {  	[tilespmem:s2], [sflag:$0xB] =	stream.linear.gather [hbm4b:s0+s2], $0x6400, $0x38;
	[tilespmem:$0x1A400] =	vst v63  }
0x18: {  	_ =	swait.ge [sflag:s10], $0x6400  }
0x19: {  	[sflag:s10] =	ssyncset.done $0x0  }
0x1a: {  	s13 =	simm.s32 $0x6400;
	[sflag:s10] =	ssyncadd.s32 $0xFFFF9C00  }
0x1b: {  	[tilespmem:s13], [sflag:$0x1] =	stream.indirect.gather [hbm4b:s4+s11], $0x80, s2, s11, $0xb8;
	[tilespmem:$0x1A400] =	vst v63  }
0x1c: {  	s14 =	simm.s32 $0xA400  }
0x1d: {  	[tilespmem:s14], [sflag:$0x2] =	stream.indirect.gather [hbm4b:s4+s11], $0x80, s11, s11, $0xb8;
	[tilespmem:$0x1A400] =	vst v63  }
0x1e: {  	s31 =	simm.s32 $0x100;
	s30 =	simm.s32 $0x0  }
0x1f: {  	[tilespmem:s15], [sflag:$0x3] =	stream.indirect.gather [hbm4b:s4+s11], $0x80, s31, s11, $0xb8;
	[tilespmem:$0x1A400] =	vst v63  }
.LBB2_2:
0x20: {  	s0 =	smul.u32 $0x5, s30;
	_ =	sdelay $0x1  }
0x21: {  	s1 =	sadd.s32 s3, s0  }
0x22: {  	_ =	swait.ge [sflag:s16], $0x4000;
	s31 =	simm.s32 $0x6400;
	s1 =	sshll.u32 s1, $0xB  }
0x23: {  	s12 =	simm.s32 $0x10;
	[sflag:s16] =	ssyncset.done $0x0;
	s1 =	sadd.s32 s5, s1  }
0x24: {  	s13 =	simm.s32 $0x6480;
	[sflag:s16] =	ssyncadd.s32 $0xFFFFC000;
	s14 =	sadd.s32 $0x0, s1  }
.LBB2_3:
0x25: {  	[hbm4b:s14+s2] =	stream.linear.scatter [tilespmem:s31], [sflag:$0x6], $0x40, $0x38;
	[tilespmem:$0x1A400] =	vst v63  }
0x26: {  	s6 =	smov.u32 s12;
	s31 =	smov.u32 s13;
	p0 =	sne.s32 s12, $0x7F0  }
.Ltmp2:
0x27: {  	s12 =	sadd.s32 $0x10, s12;
	(pc) =	sbr.rel @p0 .LBB2_3-.Ltmp2, $2  }
0x28: {  	_ =	sdelay $0x2  }
0x29: {  	s13 =	sadd.s32 $0x80, s13;
	s14 =	sadd.s32 s6, s1  }
0x2a: {  	[hbm4b:s14+s2] =	stream.linear.scatter [tilespmem:s31], [sflag:$0x6], $0x40, $0x38;
	[tilespmem:$0x1A400] =	vst v63  }
0x2b: {  	p0 =	seq.s32 s30, $0x0  }
0x2c: {  	s1 =	simm.s32 @!p0 $0x9  }
0x2d: {  	s31 =	sadd.s32 $0x3, s0;
	_ =	swait.ge @!p0 [sflag:s1], $0x2000  }
0x2e: {  	s14 =	sadd.s32 s0, s7;
	s6 =	sshll.u32 s31, $0x7;
	[sflag:s1] =	ssyncset.done @!p0 $0x0  }
0x2f: {  	s13 =	sand.u32 $0x3FFFFF80, s6;
	[sflag:s1] =	ssyncadd.s32 @!p0 $0xFFFFE000;
	s1 =	sshll.u32 s14, $0xB  }
0x30: {  	[tilespmem:s17], [sflag:$0x4] =	stream.indirect.gather [hbm4b:s4+s11], $0x80, s13, s11, $0xb8;
	[tilespmem:$0x1A400] =	vst v63  }
0x31: {  	s12 =	simm.s32 $0xA400;
	s1 =	sand.u32 $0x1FFFF800, s1;
	_ =	swait.ge [sflag:s18], $0x4000  }
0x32: {  	s14 =	simm.s32 $0xA480;
	s1 =	sadd.s32 s5, s1;
	[sflag:s18] =	ssyncset.done $0x0  }
0x33: {  	s13 =	simm.s32 $0x10;
	s6 =	sadd.s32 $0x0, s1;
	[sflag:s18] =	ssyncadd.s32 $0xFFFFC000  }
.LBB2_5:
0x34: {  	[hbm4b:s6+s2] =	stream.linear.scatter [tilespmem:s12], [sflag:$0x7], $0x40, $0x38;
	[tilespmem:$0x1A400] =	vst v63  }
0x35: {  	s6 =	smov.u32 s13;
	s12 =	smov.u32 s14;
	p1 =	sne.s32 s13, $0x7F0  }
.Ltmp3:
0x36: {  	s13 =	sadd.s32 $0x10, s13;
	(pc) =	sbr.rel @p1 .LBB2_5-.Ltmp3, $2  }
0x37: {  	_ =	sdelay $0x2  }
0x38: {  	s14 =	sadd.s32 $0x80, s14;
	s6 =	sadd.s32 s6, s1  }
0x39: {  	[hbm4b:s6+s2] =	stream.linear.scatter [tilespmem:s12], [sflag:$0x7], $0x40, $0x38;
	[tilespmem:$0x1A400] =	vst v63  }
0x3a: {  	s6 =	simm.s32 @!p0 $0xA;
	s1 =	sadd.s32 $0x4, s0  }
0x3b: {  	_ =	swait.ge @!p0 [sflag:s6], $0x2000;
	s14 =	sshll.u32 s1, $0x7  }
0x3c: {  	[sflag:s6] =	ssyncset.done @!p0 $0x0;
	s13 =	sand.u32 $0x3FFFFF80, s14;
	s14 =	sadd.s32 s0, s8  }
0x3d: {  	[sflag:s6] =	ssyncadd.s32 @!p0 $0xFFFFE000;
	s0 =	sshll.u32 s14, $0xB  }
0x3e: {  	[tilespmem:s19], [sflag:$0x5] =	stream.indirect.gather [hbm4b:s4+s11], $0x80, s13, s11, $0xb8;
	[tilespmem:$0x1A400] =	vst v63  }
0x3f: {  	s12 =	simm.s32 $0xE400;
	s0 =	sand.u32 $0x1FFFF800, s0;
	_ =	swait.ge [sflag:s20], $0x4000  }
0x40: {  	s14 =	simm.s32 $0xE480;
	s0 =	sadd.s32 s5, s0;
	[sflag:s20] =	ssyncset.done $0x0  }
0x41: {  	s13 =	simm.s32 $0x10;
	s6 =	sadd.s32 $0x0, s0;
	[sflag:s20] =	ssyncadd.s32 $0xFFFFC000  }
.LBB2_7:
0x42: {  	[hbm4b:s6+s2] =	stream.linear.scatter [tilespmem:s12], [sflag:$0x8], $0x40, $0x38;
	[tilespmem:$0x1A400] =	vst v63  }
0x43: {  	s6 =	smov.u32 s13;
	s12 =	smov.u32 s14;
	p0 =	sne.s32 s13, $0x7F0  }
.Ltmp4:
0x44: {  	s13 =	sadd.s32 $0x10, s13;
	(pc) =	sbr.rel @p0 .LBB2_7-.Ltmp4, $2  }
0x45: {  	_ =	sdelay $0x2  }
0x46: {  	s14 =	sadd.s32 $0x80, s14;
	s6 =	sadd.s32 s6, s0  }
0x47: {  	[hbm4b:s6+s2] =	stream.linear.scatter [tilespmem:s12], [sflag:$0x8], $0x40, $0x38;
	[tilespmem:$0x1A400] =	vst v63  }
0x48: {  	p0 =	seq.s32 s30, $0x27  }
0x49: {  	s0 =	smul.u32 @!p0 $0xA00, s30  }
0x4a: {  	s14 =	sadd.s32 s3, s31;
	_ =	swait.ge [sflag:s21], $0x2000  }
0x4b: {  	s12 =	simm.s32 @!p0 $0x80;
	[sflag:s21] =	ssyncset.done $0x0;
	s0 =	sshra.s32 @!p0 s0, $0x2  }
0x4c: {  	s13 =	simm.s32 @!p0 $0x6400;
	[sflag:s21] =	ssyncadd.s32 $0xFFFFE000;
	s6 =	sadd.s32 @!p0 $0x280, s0  }
0x4d: {  	[tilespmem:s13], [sflag:$0x1] =	stream.indirect.gather @!p0 [hbm4b:s4+s12], $0x80, s6, s12, $0xb8;
	[tilespmem:$0x1A400] =	vst v63  }
0x4e: {  	s6 =	sshll.u32 s14, $0xB  }
0x4f: {  	s12 =	simm.s32 $0x12400;
	_ =	swait.ge [sflag:s22], $0x4000;
	s6 =	sand.u32 $0x1FFFF800, s6  }
0x50: {  	s13 =	simm.s32 $0x10;
	[sflag:s22] =	ssyncset.done $0x0;
	s31 =	sadd.s32 s5, s6  }
0x51: {  	s14 =	simm.s32 $0x12480;
	[sflag:s22] =	ssyncadd.s32 $0xFFFFC000;
	s6 =	sadd.s32 $0x0, s31  }
.LBB2_9:
0x52: {  	[hbm4b:s6+s2] =	stream.linear.scatter [tilespmem:s12], [sflag:$0x9], $0x40, $0x38;
	[tilespmem:$0x1A400] =	vst v63  }
0x53: {  	s6 =	smov.u32 s13;
	s12 =	smov.u32 s14;
	p1 =	sne.s32 s13, $0x7F0  }
.Ltmp5:
0x54: {  	s13 =	sadd.s32 $0x10, s13;
	(pc) =	sbr.rel @p1 .LBB2_9-.Ltmp5, $2  }
0x55: {  	_ =	sdelay $0x2  }
0x56: {  	s14 =	sadd.s32 $0x80, s14;
	s6 =	sadd.s32 s6, s31  }
0x57: {  	[hbm4b:s6+s2] =	stream.linear.scatter [tilespmem:s12], [sflag:$0x9], $0x40, $0x38;
	[tilespmem:$0x1A400] =	vst v63  }
0x58: {  	_ =	swait.ge [sflag:s23], $0x2000  }
0x59: {  	s0 =	sadd.s32 @!p0 $0x300, s0;
	s6 =	simm.s32 @!p0 $0x80;
	[sflag:s23] =	ssyncset.done $0x0  }
0x5a: {  	s12 =	simm.s32 @!p0 $0xA400;
	s31 =	sadd.s32 s3, s1;
	[sflag:s23] =	ssyncadd.s32 $0xFFFFE000  }
0x5b: {  	[tilespmem:s12], [sflag:$0x2] =	stream.indirect.gather @!p0 [hbm4b:s4+s6], $0x80, s0, s6, $0xb8;
	[tilespmem:$0x1A400] =	vst v63  }
0x5c: {  	s0 =	sshll.u32 s31, $0xB  }
0x5d: {  	s1 =	simm.s32 $0x16400;
	_ =	swait.ge [sflag:s24], $0x4000;
	s0 =	sand.u32 $0x1FFFF800, s0  }
0x5e: {  	s13 =	simm.s32 $0x16480;
	[sflag:s24] =	ssyncset.done $0x0;
	s0 =	sadd.s32 s5, s0  }
0x5f: {  	s12 =	simm.s32 $0x10;
	[sflag:s24] =	ssyncadd.s32 $0xFFFFC000;
	s6 =	sadd.s32 $0x0, s0  }
.LBB2_11:
0x60: {  	[hbm4b:s6+s2] =	stream.linear.scatter [tilespmem:s1], [sflag:$0xA], $0x40, $0x38;
	[tilespmem:$0x1A400] =	vst v63  }
0x61: {  	s6 =	smov.u32 s12;
	s1 =	smov.u32 s13;
	p1 =	sne.s32 s12, $0x7F0  }
.Ltmp6:
0x62: {  	s12 =	sadd.s32 $0x10, s12;
	(pc) =	sbr.rel @p1 .LBB2_11-.Ltmp6, $2  }
0x63: {  	_ =	sdelay $0x2  }
0x64: {  	s13 =	sadd.s32 $0x80, s13;
	s6 =	sadd.s32 s6, s0  }
.Ltmp7:
0x65: {  	(pc) =	sbr.rel @p0 .LBB2_14-.Ltmp7, $4  }
0x66: {  	[hbm4b:s6+s2] =	stream.linear.scatter [tilespmem:s1], [sflag:$0xA], $0x40, $0x38;
	[tilespmem:$0x1A400] =	vst v63  }
0x67: {  	_ =	swait.ge [sflag:s25], $0x2000  }
0x68: {  	[sflag:s25] =	ssyncset.done $0x0  }
0x69: {  	[sflag:s25] =	ssyncadd.s32 $0xFFFFE000  }
0x6a: {  	s0 =	smul.u32 $0xA00, s30  }
.Ltmp8:
0x6b: {  	_ = 	snop;
	(pc) =	sbr.rel .LBB2_2-.Ltmp8, $4  }
0x6c: {  	_ = 	snop  }
0x6d: {  	s0 =	sshra.s32 s0, $0x2  }
0x6e: {  	s30 =	sadd.s32 $0x1, s30;
	s0 =	sadd.s32 $0x380, s0  }
0x6f: {  	[tilespmem:s15], [sflag:$0x3] =	stream.indirect.gather [hbm4b:s4+s11], $0x80, s0, s11, $0xb8;
	[tilespmem:$0x1A400] =	vst v63  }
.LBB2_15:
0x70: {  	_ =	sfence.sel $0x180000  }
0x71: {  	[bflag:$0x0] =	sbarrier.arrive $0xFFFF  }
0x72: {  	_ =	strace $0x90000047  }
0x73: {  	s0 =	stileid.u32;
	[bflag:$0x2] =	sbarrier.arrive $0xFFFF  }
0x74: {  	p0 =	sne.s32 s0, $0x0;
	s0 =	rddreg [dreg:$0x2]  }
0x75: {  	s0 =	sadd.s32 @!p0 $0x100000, s0  }
0x76: {  	[sflag:s0] =	ssyncadd.tile.s32 @!p0 $0x1;
	_ =	shalt  }
.Lfunc_end2:
_tile_overlayer_lowered:
.L_overlay_start_2:
0x77: {  	(tag) =	ssettag $0x2  }
0x78: {  	s0 =	rddreg [dreg:$0x0];
	s2 =	stileid.u32  }
0x79: {  	s1 =	rddreg [dreg:$0x1];
	p0 =	sne.s32 s2, $0x0  }
0x7a: {  	s3 =	rddreg [dreg:$0x2];
	[bflag:$0x3] =	sbarrier.arrive $0xFFFF;
	s2 =	simm.s32 @!p0 $0x1C0B  }
0x7b: {  	[timem:s3], [sflag:s2] =	dma.local @!p0 [hbm:s0], s1  }
0x7c: {  	s0 =	simm.s32 @!p0 $0xB  }
0x7d: {  	_ =	swait.ge @!p0 [sflag:s0], s1  }
0x7e: {  	s1 =	ssub.s32 @!p0 $0x0, s1;
	[sflag:s0] =	ssyncset.done @!p0 $0x0  }
0x7f: {  	[sflag:s0] =	ssyncadd.s32 @!p0 s1  }
0x80: {  	[bflag:$0x3] =	sbarrier.arrive $0xFFFF  }
0x81: {  	_ =	shalt  }

// kernel: sparse-core-data-format-call.cloned.1.call-start
scs
called_computation_lowered:
.L_overlay_start_0:
0x0: {  	s2 =	sld [smem:$0x3FD9]  }
0x1: {  	s3 =	sld [smem:$0x3FFE];
	_ =	sdelay $0x1  }
0x2: {  	s1 =	srdreg.scid  }
0x3: {  	s0 =	sand.u32 $0x1, s1  }
0x4: {  	s18 =	sshll.u32 s0, $0xA;
	s2 =	sadd.s32 s3, s2  }
0x5: {  	s2 =	sadd.s32 s2, s18  }
0x6: {  	[smem:$0x3FC6] =	sst s2  }
0x7: {  	_ = 	snop  }
0x8: {  	s2 =	sld [smem:$0x3FD0];
	(tm) =	ssettm $0x1  }
0x9: {  	s19 =	sld [smem:$0x3FFB];
	_ =	sdelay $0x3  }
0xa: {  	_ =	strace s19  }
0xb: {  	s3 =	sld [smem:$0x3FFC];
	_ =	sdelay $0x3  }
0xc: {  	_ =	strace s3  }
0xd: {  	s3 =	sld [smem:$0x3FFD];
	_ =	sdelay $0x3  }
0xe: {  	_ =	strace s3  }
0xf: {  	_ =	strace $0x8FFFFFFF  }
0x10: {  	s20 =	sld [smem:$0x3FDB];
	_ =	sdelay $0x1  }
0x11: {  	s4 =	simm.s32 $_scs_section_size  }
0x12: {  	s5 =	simm.s32 $_size__tile_overlayer_lowered;
	s6 =	simm.s32 $_tile_overlayer_lowered  }
0x13: {  	s23 =	simm.s32 $0x1BFF;
	s22 =	sshll.u32 s6, $0x1;
	s3 =	sadd.s32 s4, s20  }
0x14: {  	s7 =	simm.s32 $0x0;
	s21 =	sshll.u32 s5, $0x1;
	s5 =	sadd.s32 s22, s3  }
0x15: {  	[timem:s7], [sflag:s23] =	dma.local [hbm:s5], s21  }
0x16: {  	_ =	swait.ge [sflag:s23], s21  }
0x17: {  	s4 =	ssub.s32 $0x0, s21;
	[sflag:s23] =	ssyncset.done $0x0  }
0x18: {  	[sflag:s23] =	ssyncadd.s32 s4;
	_ =	sdelay $0x1  }
0x19: {  	s24 =	simm.s32 $0x1B8B  }
0x1a: {  	_ =	swait.ge [sflag:s24], $0x1  }
0x1b: {  	[sflag:s24] =	ssyncset.done $0x0  }
0x1c: {  	s26 =	simm.s32 $0x1B8E;
	s25 =	sld [smem:$0x3FFE];
	[sflag:s24] =	ssyncadd.s32 $0xFFFFFFFF  }
0x1d: {  	s27 =	simm.s32 $execute0_lowered;
	[smem:$0x3FD2] =	sst s26  }
0x1e: {  	s5 =	sshll.u32 s27, $0x1;
	_ =	strace $0x80000049;
	[dreg:$0x1] =	wrdreg $0xFFFFFFFF  }
0x1f: {  	s28 =	simm.s32 $_size_execute0_lowered;
	s3 =	sadd.s32 s3, s5;
	[dreg:$0x0] =	wrdreg $0x0  }
0x20: {  	s5 =	sshll.u32 s28, $0x1;
	[dreg:$0x2] =	wrdreg s3  }
0x21: {  	[dreg:$0x3] =	wrdreg s5  }
0x22: {  	[dreg:$0x4] =	wrdreg $0xC0  }
0x23: {  	_ =	task [dreg:s7], $0x5FFFF  }
0x24: {  	[dreg:$0x1] =	wrdreg $0xFFFFFFFF  }
0x25: {  	[dreg:$0x0] =	wrdreg $0x60  }
0x26: {  	[dreg:$0x2] =	wrdreg s25  }
0x27: {  	[dreg:$0x3] =	wrdreg s2  }
0x28: {  	[dreg:$0x4] =	wrdreg $0x9  }
0x29: {  	_ =	task.clear_ibuf [dreg:s7], $0x5FFFF;
	_ =	strace $0x90000049  }
0x2a: {  	s29 =	simm.s32 $0x9;
	_ =	strace $0x8000004B  }
0x2b: {  	_ =	swait.ge [sflag:s29], $0x1  }
0x2c: {  	[sflag:s29] =	ssyncadd.s32 $0xFFFFFFFF  }
0x2d: {  	_ =	strace $0x9000004B  }
0x2e: {  	_ =	sfence  }
0x2f: {  	s30 =	sld [smem:$0x0];
	_ =	sdelay $0x2  }
0x30: {  	s31 =	sshll.u32 s1, $0xD;
	s1 =	sshrl.u32 s1, $0x2  }
0x31: {  	s3 =	sand.u32 $0x4000, s31;
	s1 =	sadd.s32 s1, s30  }
0x32: {  	s0 =	sor.u32 s3, s0;
	s1 =	sshll.u32 s1, $0x11  }
0x33: {  	s0 =	sor.u32 s1, s0  }
0x34: {  	s0 =	sadd.s32 $0x8F2B, s0  }
0x35: {  	[sflag:s0] =	ssyncadd.remote.s32 $0x1  }
0x36: {  	_ =	sfence.sel $0xFFFF  }
0x37: {  	[dreg:$0x0] =	wrdreg $0xFFFFFFFF;
	(pc) =	sbr.abs _section_cstart, $3  }
0x38: {  	[dreg:$0x1] =	wrdreg $0xFFFFFFFF  }
0x39: {  	_ =	task.clear_ibuf [dreg:s7], $0x2FFFF;
	_ =	strace $0x9FFFFFFF  }
0x3a: {  	(tm) =	ssettm $0x7FFFFFFF  }
0x3b: {  	_ =	shalt  }
tec
execute0_lowered:
.L_overlay_start_1:
0x0: {  	(tag) =	ssettag $0x1  }
0x1: {  	s0 =	srdreg.scid  }
0x2: {  	s1 =	sshll.u32 s0, $0x4  }
0x3: {  	s0 =	stileid.u32;
	s1 =	sand.u32 $0x10, s1  }
0x4: {  	s1 =	sor.u32 s0, s1  }
0x5: {  	s6 =	rddreg [dreg:$0x0];
	s4 =	simm.s32 $0x1;
	s2 =	sshll.u32 s1, $0x7  }
0x6: {  	s7 =	simm.s32 $0x2;
	s12 =	simm.s32 $0x0;
	s1 =	ssub.s32 $0x1000, s2  }
0x7: {  	s8 =	simm.s32 $0x8000;
	s13 =	simm.s32 $0x0;
	s3 =	sand.u32 $0xF80, s1  }
0x8: {  	s9 =	simm.s32 $0x0;
	s5 =	sshrl.u32 s1, $0xC;
	p0 =	sne.s32 s3, $0x0  }
.Ltmp0:
0x9: {  	s1 =	rddreg [dreg:$0x2];
	s4 =	simm.s32 @!p0 $0x0;
	(pc) =	sbr.rel .LBB1_1-.Ltmp0, $4  }
0xa: {  	s11 =	simm.s32 $0x0;
	s3 =	rddreg [dreg:$0x1];
	s5 =	sadd.s32 s4, s5  }
0xb: {  	_ =	strace $0x8000004A;
	s4 =	simm.s32 $0x1;
	s5 =	smul.u32 $0xC8, s5  }
0xc: {  	s6 =	sadd.s32 $0xA00, s6;
	s10 =	smov.u32 s2;
	[sflag:s4] =	ssyncpa.u1 $0x0  }
0xd: {  	p0 =	por $0x0, $0x0;
	[sflag:s7] =	ssyncpa.u1 $0x0;
	s7 =	sor.u32 $0x1, s5  }
.LBB1_4:
0xe: {  	s16 =	sshll.u32 s13, $0x3;
	s17 =	sand.u32 $0x78, s13  }
0xf: {  	s30 =	sand.u32 $0x7E00, s13;
	s12 =	sshll.u32 s12, $0xF;
	s16 =	sand.u32 $0xC00, s16  }
0x10: {  	[tilespmem:s15+$0x810 ss:$0x81] =	vst.msk $0xffff, v2;
	s31 =	sand.u32 $0x7, s13;
	s16 =	sor.u32 s17, s16;
	s17 =	sadd.s32 s3, s30  }
0x11: {  	[tilespmem:s15+$0x1020 ss:$0x81] =	vst.msk $0xffff, v0;
	s13 =	sshll.u32 s31, $0x12;
	s12 =	sadd.s32 s12, s17;
	s16 =	sshrl.u32 s16, $0x3  }
0x12: {  	[tilespmem:s15+$0x0 ss:$0x81] =	vst.msk $0xffff, v1;
	s13 =	sor.u32 $0x400, s13;
	s12 =	sadd.s32 s16, s12  }
0x13: {  	[hbm4b:s12+s13] =	stream.strided.scatter [tilespmem:s14], [sflag:$0x2], $0x2000, s8, s13, $0x20;
	[tilespmem:$0x8080] =	vst v63  }
.LBB1_5:
0x14: {  	s14 =	sadd.s32 $0x1, s9  }
0x15: {  	s12 =	sadd.s32 $0x1000, s10;
	s16 =	smov.u32 s10;
	p2 =	sgt.s32 s14, $0xC7  }
0x16: {  	s16 =	smov.u32 @p2 s12  }
0x17: {  	s14 =	simm.s32 @p2 $0x0;
	p2 =	sgt.s32 s16, $0xFFF  }
0x18: {  	s16 =	smov.u32 @p2 s2;
	p2 =	sne.s32 s11, s7  }
.Ltmp1:
0x19: {  	p1 =	slt.u32 s11, $0x2;
	(pc) =	sbr.rel @!p2 .LBB1_6-.Ltmp1, $4  }
0x1a: {  	s15 =	simm.s32 @!p1 $0x2  }
0x1b: {  	s13 =	smov.u32 s10;
	p0 =	por !p0, !p0;
	_ =	swait.ge @!p1 [sflag:s15], $0x2000  }
0x1c: {  	s12 =	smov.u32 s9;
	[sflag:s15] =	ssyncset.done @!p1 $0x0;
	s9 =	smov.u32 s14  }
0x1d: {  	s11 =	sadd.s32 $0x1, s11;
	[sflag:s15] =	ssyncadd.s32 @!p1 $0xFFFFE000;
	s10 =	smov.u32 s16  }
.LBB1_1:
0x1e: {  	p1 =	sge.u32 s11, s5  }
0x1f: {  	s14 =	sand.u32 @!p1 $0x1FFFFFF, s9  }
0x20: {  	s15 =	smulhi.u32 @!p1 $0x147AE15, s14;
	_ =	sdelay $0x1  }
0x21: {  	s15 =	smul.u32 @!p1 $0xC8, s15  }
0x22: {  	s16 =	sxor.u32 @!p1 $0xFFFFFFFF, s11;
	s17 =	smul.u32 @!p1 $0xC80, s10  }
0x23: {  	s31 =	sadd.s32 $0xFFFFFFFF, s11;
	s16 =	sshll.u32 @!p1 s16, $0xD;
	s14 =	ssub.s32 @!p1 s14, s15  }
0x24: {  	s15 =	sand.u32 @!p1 $0x2000, s16;
	s16 =	sadd.s32 @!p1 s6, s17;
	s14 =	sshll.u32 @!p1 s14, $0x4  }
0x25: {  	s17 =	simm.s32 @!p1 $0x6400;
	s14 =	sadd.s32 @!p1 s14, s16;
	s16 =	simm.s32 @!p1 $0x40  }
0x26: {  	[tilespmem:s15], [sflag:$0x1] =	stream.strided.gather @!p1 [hbm4b:s14+s16], $0x2000, s17, s16, $0x38;
	[tilespmem:$0x8080] =	vst v63  }
0x27: {  	p1 =	sge.u32 s31, s5  }
.Ltmp2:
0x28: {  	_ = 	snop;
	(pc) =	sbr.rel @p1 .LBB1_5-.Ltmp2, $1  }
0x29: {  	_ =	sdelay $0x3  }
0x2a: {  	s14 =	simm.s32 $0x1  }
0x2b: {  	_ =	swait.ge [sflag:s4], $0x2000;
	s14 =	simm.s32 @!p0 $0x0  }
0x2c: {  	[sflag:s4] =	ssyncset.done $0x0;
	s15 =	sshll.u32 s14, $0xD  }
0x2d: {  	[sflag:s4] =	ssyncadd.s32 $0xFFFFE000;
	s18 =	sor.u32 $0x20, s15  }
0x2e: {  	s14 =	smul.u32 $0x8100, s14;
	v3 =	vld [tilespmem:s18+$0x10]  }
0x2f: {  	s30 =	sand.u32 $0x1, s11;
	v2 =	vld [tilespmem:s18+$0xFFFFFFF0]  }
0x30: {  	s15 =	smul.u32 $0x8100, s30;
	s14 =	sshrl.u32 s14, $0x2;
	v0 =	vld [tilespmem:s18+$0x0]  }
0x31: {  	v1 =	vld [tilespmem:s18+$0xFFFFFFE0];
	s16 =	sor.u32 $0x4000, s14  }
0x32: {  	s31 =	sshrl.u32 s15, $0x2;
	s15 =	sadd.s32 $0x0, s16  }
0x33: {  	s17 =	simm.s32 $0x4;
	s18 =	sadd.s32 $0x40, s18;
	s14 =	sor.u32 $0x4000, s31;
	[tilespmem:s15+$0x1830 ss:$0x81] =	vst.msk $0xffff, v3  }
.LBB1_3:
0x34: {  	v3 =	vld [tilespmem:s18+$0x10];
	p1 =	sne.s32 s17, $0x1FC;
	[tilespmem:s15+$0x810 ss:$0x81] =	vst.msk $0xffff, v2;
	s19 =	smov.u32 s17;
	s17 =	sadd.s32 $0x4, s17  }
.Ltmp3:
0x35: {  	v2 =	vld [tilespmem:s18+$0xFFFFFFF0];
	[tilespmem:s15+$0x1020 ss:$0x81] =	vst.msk $0xffff, v0;
	(pc) =	sbr.rel @p1 .LBB1_3-.Ltmp3, $4  }
0x36: {  	v0 =	vld [tilespmem:s18+$0x0];
	[tilespmem:s15+$0x0 ss:$0x81] =	vst.msk $0xffff, v1  }
0x37: {  	s15 =	sshra.s32 s19, $0x2;
	v1 =	vld [tilespmem:s18+$0xFFFFFFE0]  }
0x38: {  	s15 =	sadd.s32 s15, s16  }
0x39: {  	s18 =	sadd.s32 $0x40, s18;
	[tilespmem:s15+$0x1830 ss:$0x81] =	vst.msk $0xffff, v3  }
.Ltmp4:
0x3a: {  	_ = 	snop;
	(pc) =	sbr.rel .LBB1_4-.Ltmp4, $1  }
0x3b: {  	_ =	sdelay $0x3  }
.LBB1_6:
0x3c: {  	_ =	sfence.sel $0x180000  }
0x3d: {  	s2 =	simm.s32 $0x1;
	[bflag:$0x0] =	sbarrier.arrive $0xFFFF  }
0x3e: {  	s31 =	simm.s32 $0x2;
	[sflag:s2] =	ssyncpa.u1 $0x1  }
0x3f: {  	[sflag:s31] =	ssyncpa.u1 $0x1  }
0x40: {  	p0 =	sne.s32 s0, $0x0;
	_ =	strace $0x9000004A  }
0x41: {  	s0 =	sadd.s32 @!p0 $0x100000, s1;
	[bflag:$0x2] =	sbarrier.arrive $0xFFFF  }
0x42: {  	[sflag:s0] =	ssyncadd.tile.s32 @!p0 $0x1;
	_ =	shalt  }
.Lfunc_end1:
_tile_overlayer_lowered:
.L_overlay_start_2:
0x43: {  	(tag) =	ssettag $0x2  }
0x44: {  	s0 =	rddreg [dreg:$0x0];
	s2 =	stileid.u32  }
0x45: {  	s1 =	rddreg [dreg:$0x1];
	p0 =	sne.s32 s2, $0x0  }
0x46: {  	s3 =	rddreg [dreg:$0x2];
	[bflag:$0x3] =	sbarrier.arrive $0xFFFF;
	s2 =	simm.s32 @!p0 $0x1C01  }
0x47: {  	[timem:s3], [sflag:s2] =	dma.local @!p0 [hbm:s0], s1  }
0x48: {  	s0 =	simm.s32 @!p0 $0x1  }
0x49: {  	_ =	swait.ge @!p0 [sflag:s0], s1  }
0x4a: {  	s1 =	ssub.s32 @!p0 $0x0, s1;
	[sflag:s0] =	ssyncset.done @!p0 $0x0  }
0x4b: {  	[sflag:s0] =	ssyncadd.s32 @!p0 s1  }
0x4c: {  	[bflag:$0x3] =	sbarrier.arrive $0xFFFF  }
0x4d: {  	_ =	shalt  }

</sc_bundles>
